<compile_context>
chip_gen: v7x
topology: tpu7x:2x2x1
jax: 0.10.2.dev20260603
libtpu: 0.0.44.dev20260713+nightly
codegen_flags: <defaults>
</compile_context>

<pallas_src>
import jax
import jax.numpy as jnp
from jax import lax
from jax.experimental import pallas as pl
from jax.experimental.pallas import tpu as pltpu
from jax.experimental.pallas import tpu_sc as plsc

VOCAB_N = 1000000
HALF_V = VOCAB_N // 2
D_MODEL = 64
SCALE = 8.0

A_VBLK = 1024
A_GRID = (VOCAB_N + 2 * A_VBLK - 1) // (2 * A_VBLK)
N_PAIR = A_GRID * A_VBLK

W = 128
K = 4
SUPER = W * K
NUM_WORKERS = 32

C_BBLK = 256


def _format_table(table_t):

    def body(in_ref, out_ref):
        x = in_ref[...]
        lo = x[:, :A_VBLK].T * SCALE
        hi = x[:, A_VBLK:].T * SCALE
        out_ref[...] = jnp.concatenate([lo, hi], axis=1)

    return pl.pallas_call(
        body,
        grid=(A_GRID,),
        in_specs=[pl.BlockSpec((D_MODEL, 2 * A_VBLK), lambda i: (0, i))],
        out_specs=pl.BlockSpec((A_VBLK, 128), lambda i: (i, 0)),
        out_shape=jax.ShapeDtypeStruct((N_PAIR, 128), jnp.float32),
    )(table_t)


def _sc_gather(table_l, idx):
    n = idx.shape[0]
    per_w = n // NUM_WORKERS
    nsup = per_w // SUPER

    mesh = plsc.VectorSubcoreMesh(core_axis_name="c", subcore_axis_name="s")

    @pl.kernel(
        out_type=jax.ShapeDtypeStruct((n, D_MODEL), jnp.float32),
        mesh=mesh,
        compiler_params=pltpu.CompilerParams(use_tc_tiling_on_sc=False),
        scratch_types=[
            pltpu.VMEM((2, SUPER), jnp.int32),
            pltpu.VMEM((2, SUPER, D_MODEL), jnp.float32),
            pltpu.SemaphoreType.DMA,
            pltpu.SemaphoreType.DMA,
            pltpu.SemaphoreType.DMA,
            pltpu.SemaphoreType.DMA,
        ],
    )
    def emb_kernel(table_hbm, idx_hbm, out_hbm, idx_v, rows_v, g0, g1, w0, w1):
        wid = lax.axis_index("s") * 2 + lax.axis_index("c")
        wbase = wid * per_w
        gsems = (g0, g1)
        wsems = (w0, w1)

        def load_idx(c, b):
            pltpu.sync_copy(
                idx_hbm.at[pl.ds(wbase + c * SUPER, SUPER)], idx_v.at[b]
            )

        def fire_gathers(b):
            for w in range(K):
                pltpu.async_copy(
                    table_hbm.at[idx_v.at[b, pl.ds(w * W, W)]],
                    rows_v.at[b, pl.ds(w * W, W)],
                    gsems[b],
                )

        def drain_gathers(b):
            pltpu.make_async_copy(
                table_hbm.at[pl.ds(0, SUPER)], rows_v.at[b], gsems[b]
            ).wait()

        def fire_writeback(c, b):
            pltpu.async_copy(
                rows_v.at[b],
                out_hbm.at[pl.ds(wbase + c * SUPER, SUPER)],
                wsems[b],
            )

        def drain_writeback(b):
            pltpu.make_async_copy(
                out_hbm.at[pl.ds(0, SUPER)], rows_v.at[b], wsems[b]
            ).wait()

        load_idx(0, 0)
        fire_gathers(0)

        @pl.loop(0, nsup // 2)
        def _(i):
            for b in (0, 1):
                c = i * 2 + b
                nb = 1 - b

                @pl.when(c + 1 < nsup)
                def _():
                    load_idx(c + 1, nb)

                    @pl.when(c >= 1)
                    def _():
                        drain_writeback(nb)

                    fire_gathers(nb)

                drain_gathers(b)
                fire_writeback(c, b)

        drain_writeback(0)
        drain_writeback(1)

    return emb_kernel(table_l, idx)


def _finalize(g2, batch_n):
    rows_per_b = 50 * D_MODEL // 128

    def body(in_ref, out_ref):
        x = in_ref[...]
        z = x.reshape(C_BBLK, 50 * D_MODEL)
        out_ref[...] = z.T.reshape(50, D_MODEL, C_BBLK)

    grid = batch_n // C_BBLK
    return pl.pallas_call(
        body,
        grid=(grid,),
        in_specs=[pl.BlockSpec((C_BBLK * rows_per_b, 128), lambda i: (i, 0))],
        out_specs=pl.BlockSpec((50, D_MODEL, C_BBLK), lambda i: (0, 0, i)),
        out_shape=jax.ShapeDtypeStruct((50, D_MODEL, batch_n), jnp.float32),
    )(g2)


def kernel(inputs, table):
    B, S = inputs.shape
    n = B * S
    idx = inputs.reshape(n).astype(jnp.int32)
    idx = 2 * ((idx >> 11) * A_VBLK + (idx & (A_VBLK - 1))) + (
        (idx >> 10) & 1
    )

    table_p = _format_table(table.T)
    table_l = table_p.reshape(2 * N_PAIR, D_MODEL)

    gathered = _sc_gather(table_l, idx)

    g2 = gathered.reshape(n // 2, 128)
    out_t = _finalize(g2, B)
    return out_t.transpose(2, 0, 1)

# --- scband reference (transcript-rebuilt; emitter-appended) ---
"""Pipeline reference for scband-embeddings-8942121910757 (READ-ONLY COPY).

The authoritative reference and input builder live on the scoring server;
editing this copy changes nothing except your own understanding.
"""

import jax, jax.numpy as jnp
import numpy as np

VOCAB = 1000000
D_MODEL = 64

def setup_inputs(seed: int = 0) -> dict:
    key = jax.random.key(seed)
    k1, k2 = jax.random.split(key)
    inputs = jax.random.randint(k1, (16384, 50), 0, VOCAB, dtype=jnp.int64)
    table = jax.random.normal(k2, (VOCAB, D_MODEL), dtype=jnp.float32) * 0.02
    return {"inputs": inputs, "table": table}

def reference(inputs, table):
    # embedding lookup (mask_zero affects masking metadata only, not values)
    emb = jnp.take(table, inputs, axis=0)
    return emb * jnp.sqrt(jnp.asarray(D_MODEL, dtype=jnp.float32))

if __name__ == "__main__":
    import jax
    _d = setup_inputs()
    print(jax.jit(kernel)(*tuple(_d.values())))

</pallas_src>

<mosaic_0001>
#map = affine_map<(d0, d1) -> (0, 0)>
#map1 = affine_map<(d0, d1) -> (0)>
module attributes {stable_mosaic.version = 14 : i64} {
  func.func @emb_kernel(%arg0: i32, %arg1: i32, %arg2: memref<1001472x64xf32, #tpu.memory_space<hbm>>, %arg3: memref<819200xi32, #tpu.memory_space<hbm>>, %arg4: memref<819200x64xf32, #tpu.memory_space<hbm>>, %arg5: memref<2x512xi32, #tpu.memory_space<vmem>>, %arg6: memref<2x512x64xf32, #tpu.memory_space<vmem>>, %arg7: memref<!tpu.dma_semaphore, #tpu.memory_space<semaphore_mem>>, %arg8: memref<!tpu.dma_semaphore, #tpu.memory_space<semaphore_mem>>, %arg9: memref<!tpu.dma_semaphore, #tpu.memory_space<semaphore_mem>>, %arg10: memref<!tpu.dma_semaphore, #tpu.memory_space<semaphore_mem>>) attributes {dimension_semantics = [#tpu.dimension_semantics<core_parallel>, #tpu.dimension_semantics<subcore_parallel>], iteration_bounds = array<i64: 2, 16>, scalar_prefetch = 0 : i64, scratch_operands = 6 : i64, tpu.core_type = #tpu.core_type<sc_vector_subcore>, window_params = [{transform_indices = #map}, {transform_indices = #map1}, {transform_indices = #map}]} {
    %mul3A = arith.constant 2 : i32
    %mul3A_0 = arith.muli %arg1, %mul3A : i32
    %add3A = arith.addi %mul3A_0, %arg0 : i32
    %mul3A_1 = arith.constant 25600 : i32
    %mul3A_2 = arith.muli %add3A, %mul3A_1 : i32
    %add3A_3 = arith.constant 0 : i32
    %add3A_4 = arith.addi %mul3A_2, %add3A_3 : i32
    %run_scoped3A = arith.constant 0 : i32
    "tpu.region"() ({
      %run_scoped3A_85 = tpu.sem_alloc : memref<!tpu.dma_semaphore, #tpu.memory_space<semaphore_mem>>
      %dma_start3A_86 = arith.constant 0 : i32
      %dma_start3A_87 = tpu.memref_slice %arg5[%run_scoped3A, %dma_start3A_86] : memref<2x512xi32, #tpu.memory_space<vmem>> -> memref<1x512xi32, #tpu.memory_space<vmem>>
      %dma_start3A_88 = tpu.memref_squeeze %dma_start3A_87 : memref<1x512xi32, #tpu.memory_space<vmem>> -> memref<512xi32, #tpu.memory_space<vmem>>
      %dma_start3A_89 = tpu.memref_slice %arg3[%add3A_4] : memref<819200xi32, #tpu.memory_space<hbm>> -> memref<512xi32, #tpu.memory_space<hbm>>
      %dma_start3A_90 = arith.constant 0 : i32
      %dma_start3A_91 = tpu.memref_slice %arg5[%run_scoped3A, %dma_start3A_90] : memref<2x512xi32, #tpu.memory_space<vmem>> -> memref<1x512xi32, #tpu.memory_space<vmem>>
      %dma_start3A_92 = tpu.memref_squeeze %dma_start3A_91 : memref<1x512xi32, #tpu.memory_space<vmem>> -> memref<512xi32, #tpu.memory_space<vmem>>
      %dma_start3A_93 = tpu.memref_slice %arg3[%add3A_4] : memref<819200xi32, #tpu.memory_space<hbm>> -> memref<512xi32, #tpu.memory_space<hbm>>
      tpu.enqueue_dma source(%dma_start3A_93 : memref<512xi32, #tpu.memory_space<hbm>>) target(%dma_start3A_92 : memref<512xi32, #tpu.memory_space<vmem>>) target_semaphore(%run_scoped3A_85 : memref<!tpu.dma_semaphore, #tpu.memory_space<semaphore_mem>>)
      %dma_wait3A_94 = arith.constant 0 : i32
      %dma_wait3A_95 = tpu.memref_slice %arg5[%run_scoped3A, %dma_wait3A_94] : memref<2x512xi32, #tpu.memory_space<vmem>> -> memref<1x512xi32, #tpu.memory_space<vmem>>
      %dma_wait3A_96 = tpu.memref_squeeze %dma_wait3A_95 : memref<1x512xi32, #tpu.memory_space<vmem>> -> memref<512xi32, #tpu.memory_space<vmem>>
      %dma_wait3A_97 = tpu.memref_slice %arg3[%add3A_4] : memref<819200xi32, #tpu.memory_space<hbm>> -> memref<512xi32, #tpu.memory_space<hbm>>
      %dma_wait3A_98 = arith.constant 0 : i32
      %dma_wait3A_99 = tpu.memref_slice %arg5[%run_scoped3A, %dma_wait3A_98] : memref<2x512xi32, #tpu.memory_space<vmem>> -> memref<1x512xi32, #tpu.memory_space<vmem>>
      %dma_wait3A_100 = tpu.memref_squeeze %dma_wait3A_99 : memref<1x512xi32, #tpu.memory_space<vmem>> -> memref<512xi32, #tpu.memory_space<vmem>>
      %dma_wait3A_101 = tpu.memref_slice %arg3[%add3A_4] : memref<819200xi32, #tpu.memory_space<hbm>> -> memref<512xi32, #tpu.memory_space<hbm>>
      tpu.wait_dma2 semaphore(%run_scoped3A_85 : memref<!tpu.dma_semaphore, #tpu.memory_space<semaphore_mem>>) src(%dma_wait3A_101 : memref<512xi32, #tpu.memory_space<hbm>>) dst(%dma_wait3A_100 : memref<512xi32, #tpu.memory_space<vmem>>)
      tpu.yield
    }) : () -> ()
    %dma_start3A = arith.constant 0 : i32
    %dma_start3A_5 = arith.constant 0 : i32
    %dma_start3A_6 = arith.constant 0 : i32
    %dma_start3A_7 = arith.constant 0 : i32
    %dma_start3A_8 = tpu.memref_slice %arg6[%dma_start3A_5, %dma_start3A_6, %dma_start3A_7] : memref<2x512x64xf32, #tpu.memory_space<vmem>> -> memref<1x128x64xf32, #tpu.memory_space<vmem>>
    %dma_start3A_9 = tpu.memref_squeeze %dma_start3A_8 : memref<1x128x64xf32, #tpu.memory_space<vmem>> -> memref<128x64xf32, #tpu.memory_space<vmem>>
    %dma_start3A_10 = arith.constant 0 : i32
    %dma_start3A_11 = tpu.memref_slice %arg5[%dma_start3A, %dma_start3A_10] : memref<2x512xi32, #tpu.memory_space<vmem>> -> memref<1x128xi32, #tpu.memory_space<vmem>>
    %dma_start3A_12 = tpu.memref_squeeze %dma_start3A_11 : memref<1x128xi32, #tpu.memory_space<vmem>> -> memref<128xi32, #tpu.memory_space<vmem>>
    %dma_start3A_13 = arith.constant 0 : i32
    %dma_start3A_14 = arith.constant 0 : i32
    %dma_start3A_15 = tpu.memref_slice %arg2[%dma_start3A_13, %dma_start3A_14] : memref<1001472x64xf32, #tpu.memory_space<hbm>> -> memref<1001472x64xf32, #tpu.memory_space<hbm>>
    tpu.enqueue_indirect_dma source(%dma_start3A_15 : memref<1001472x64xf32, #tpu.memory_space<hbm>>) target(%dma_start3A_9 : memref<128x64xf32, #tpu.memory_space<vmem>>) offsets(%dma_start3A_12 : memref<128xi32, #tpu.memory_space<vmem>>) semaphore(%arg7 : memref<!tpu.dma_semaphore, #tpu.memory_space<semaphore_mem>>)
    %dma_start3A_16 = arith.constant 0 : i32
    %dma_start3A_17 = arith.constant 0 : i32
    %dma_start3A_18 = arith.constant 128 : i32
    %dma_start3A_19 = arith.constant 0 : i32
    %dma_start3A_20 = tpu.memref_slice %arg6[%dma_start3A_17, %dma_start3A_18, %dma_start3A_19] : memref<2x512x64xf32, #tpu.memory_space<vmem>> -> memref<1x128x64xf32, #tpu.memory_space<vmem>>
    %dma_start3A_21 = tpu.memref_squeeze %dma_start3A_20 : memref<1x128x64xf32, #tpu.memory_space<vmem>> -> memref<128x64xf32, #tpu.memory_space<vmem>>
    %dma_start3A_22 = arith.constant 128 : i32
    %dma_start3A_23 = tpu.memref_slice %arg5[%dma_start3A_16, %dma_start3A_22] : memref<2x512xi32, #tpu.memory_space<vmem>> -> memref<1x128xi32, #tpu.memory_space<vmem>>
    %dma_start3A_24 = tpu.memref_squeeze %dma_start3A_23 : memref<1x128xi32, #tpu.memory_space<vmem>> -> memref<128xi32, #tpu.memory_space<vmem>>
    %dma_start3A_25 = arith.constant 0 : i32
    %dma_start3A_26 = arith.constant 0 : i32
    %dma_start3A_27 = tpu.memref_slice %arg2[%dma_start3A_25, %dma_start3A_26] : memref<1001472x64xf32, #tpu.memory_space<hbm>> -> memref<1001472x64xf32, #tpu.memory_space<hbm>>
    tpu.enqueue_indirect_dma source(%dma_start3A_27 : memref<1001472x64xf32, #tpu.memory_space<hbm>>) target(%dma_start3A_21 : memref<128x64xf32, #tpu.memory_space<vmem>>) offsets(%dma_start3A_24 : memref<128xi32, #tpu.memory_space<vmem>>) semaphore(%arg7 : memref<!tpu.dma_semaphore, #tpu.memory_space<semaphore_mem>>)
    %dma_start3A_28 = arith.constant 0 : i32
    %dma_start3A_29 = arith.constant 0 : i32
    %dma_start3A_30 = arith.constant 256 : i32
    %dma_start3A_31 = arith.constant 0 : i32
    %dma_start3A_32 = tpu.memref_slice %arg6[%dma_start3A_29, %dma_start3A_30, %dma_start3A_31] : memref<2x512x64xf32, #tpu.memory_space<vmem>> -> memref<1x128x64xf32, #tpu.memory_space<vmem>>
    %dma_start3A_33 = tpu.memref_squeeze %dma_start3A_32 : memref<1x128x64xf32, #tpu.memory_space<vmem>> -> memref<128x64xf32, #tpu.memory_space<vmem>>
    %dma_start3A_34 = arith.constant 256 : i32
    %dma_start3A_35 = tpu.memref_slice %arg5[%dma_start3A_28, %dma_start3A_34] : memref<2x512xi32, #tpu.memory_space<vmem>> -> memref<1x128xi32, #tpu.memory_space<vmem>>
    %dma_start3A_36 = tpu.memref_squeeze %dma_start3A_35 : memref<1x128xi32, #tpu.memory_space<vmem>> -> memref<128xi32, #tpu.memory_space<vmem>>
    %dma_start3A_37 = arith.constant 0 : i32
    %dma_start3A_38 = arith.constant 0 : i32
    %dma_start3A_39 = tpu.memref_slice %arg2[%dma_start3A_37, %dma_start3A_38] : memref<1001472x64xf32, #tpu.memory_space<hbm>> -> memref<1001472x64xf32, #tpu.memory_space<hbm>>
    tpu.enqueue_indirect_dma source(%dma_start3A_39 : memref<1001472x64xf32, #tpu.memory_space<hbm>>) target(%dma_start3A_33 : memref<128x64xf32, #tpu.memory_space<vmem>>) offsets(%dma_start3A_36 : memref<128xi32, #tpu.memory_space<vmem>>) semaphore(%arg7 : memref<!tpu.dma_semaphore, #tpu.memory_space<semaphore_mem>>)
    %dma_start3A_40 = arith.constant 0 : i32
    %dma_start3A_41 = arith.constant 0 : i32
    %dma_start3A_42 = arith.constant 384 : i32
    %dma_start3A_43 = arith.constant 0 : i32
    %dma_start3A_44 = tpu.memref_slice %arg6[%dma_start3A_41, %dma_start3A_42, %dma_start3A_43] : memref<2x512x64xf32, #tpu.memory_space<vmem>> -> memref<1x128x64xf32, #tpu.memory_space<vmem>>
    %dma_start3A_45 = tpu.memref_squeeze %dma_start3A_44 : memref<1x128x64xf32, #tpu.memory_space<vmem>> -> memref<128x64xf32, #tpu.memory_space<vmem>>
    %dma_start3A_46 = arith.constant 384 : i32
    %dma_start3A_47 = tpu.memref_slice %arg5[%dma_start3A_40, %dma_start3A_46] : memref<2x512xi32, #tpu.memory_space<vmem>> -> memref<1x128xi32, #tpu.memory_space<vmem>>
    %dma_start3A_48 = tpu.memref_squeeze %dma_start3A_47 : memref<1x128xi32, #tpu.memory_space<vmem>> -> memref<128xi32, #tpu.memory_space<vmem>>
    %dma_start3A_49 = arith.constant 0 : i32
    %dma_start3A_50 = arith.constant 0 : i32
    %dma_start3A_51 = tpu.memref_slice %arg2[%dma_start3A_49, %dma_start3A_50] : memref<1001472x64xf32, #tpu.memory_space<hbm>> -> memref<1001472x64xf32, #tpu.memory_space<hbm>>
    tpu.enqueue_indirect_dma source(%dma_start3A_51 : memref<1001472x64xf32, #tpu.memory_space<hbm>>) target(%dma_start3A_45 : memref<128x64xf32, #tpu.memory_space<vmem>>) offsets(%dma_start3A_48 : memref<128xi32, #tpu.memory_space<vmem>>) semaphore(%arg7 : memref<!tpu.dma_semaphore, #tpu.memory_space<semaphore_mem>>)
    %scan3A = arith.constant 0 : i32
    %scan3A_52 = arith.constant 25 : i32
    %scan3A_53 = arith.addi %scan3A, %scan3A_52 : i32
    %scan3A_54 = arith.constant 1 : i32
    scf.for %scan3A_85 = %scan3A to %scan3A_53 step %scan3A_54  : i32 {
      %mul3A_86 = arith.constant 1 : i32
      %mul3A_87 = arith.muli %scan3A_85, %mul3A_86 : i32
      %add3A_88 = arith.constant 0 : i32
      %add3A_89 = arith.addi %add3A_88, %mul3A_87 : i32
      %mul3A_90 = arith.constant 2 : i32
      %mul3A_91 = arith.muli %add3A_89, %mul3A_90 : i32
      %add3A_92 = arith.constant 0 : i32
      %add3A_93 = arith.addi %mul3A_91, %add3A_92 : i32
      %add3A_94 = arith.constant 1 : i32
      %add3A_95 = arith.addi %add3A_93, %add3A_94 : i32
      %lt3A = arith.constant 50 : i32
      %lt3A_96 = arith.cmpi slt, %add3A_95, %lt3A : i32
      %convert_element_type3A = arith.extui %lt3A_96 : i1 to i32
      %cond3A = arith.constant 0 : i32
      %cond3A_97 = arith.cmpi ne, %convert_element_type3A, %cond3A : i32
      scf.if %cond3A_97 {
        %add3A_171 = arith.constant 1 : i32
        %add3A_172 = arith.addi %add3A_93, %add3A_171 : i32
        %mul3A_173 = arith.constant 512 : i32
        %mul3A_174 = arith.muli %add3A_172, %mul3A_173 : i32
        %add3A_175 = arith.addi %mul3A_2, %mul3A_174 : i32
        %run_scoped3A_176 = arith.constant 1 : i32
        "tpu.region"() ({
          %run_scoped3A_229 = tpu.sem_alloc : memref<!tpu.dma_semaphore, #tpu.memory_space<semaphore_mem>>
          %dma_start3A_230 = arith.constant 0 : i32
          %dma_start3A_231 = tpu.memref_slice %arg5[%run_scoped3A_176, %dma_start3A_230] : memref<2x512xi32, #tpu.memory_space<vmem>> -> memref<1x512xi32, #tpu.memory_space<vmem>>
          %dma_start3A_232 = tpu.memref_squeeze %dma_start3A_231 : memref<1x512xi32, #tpu.memory_space<vmem>> -> memref<512xi32, #tpu.memory_space<vmem>>
          %dma_start3A_233 = tpu.memref_slice %arg3[%add3A_175] : memref<819200xi32, #tpu.memory_space<hbm>> -> memref<512xi32, #tpu.memory_space<hbm>>
          %dma_start3A_234 = arith.constant 0 : i32
          %dma_start3A_235 = tpu.memref_slice %arg5[%run_scoped3A_176, %dma_start3A_234] : memref<2x512xi32, #tpu.memory_space<vmem>> -> memref<1x512xi32, #tpu.memory_space<vmem>>
          %dma_start3A_236 = tpu.memref_squeeze %dma_start3A_235 : memref<1x512xi32, #tpu.memory_space<vmem>> -> memref<512xi32, #tpu.memory_space<vmem>>
          %dma_start3A_237 = tpu.memref_slice %arg3[%add3A_175] : memref<819200xi32, #tpu.memory_space<hbm>> -> memref<512xi32, #tpu.memory_space<hbm>>
          tpu.enqueue_dma source(%dma_start3A_237 : memref<512xi32, #tpu.memory_space<hbm>>) target(%dma_start3A_236 : memref<512xi32, #tpu.memory_space<vmem>>) target_semaphore(%run_scoped3A_229 : memref<!tpu.dma_semaphore, #tpu.memory_space<semaphore_mem>>)
          %dma_wait3A_238 = arith.constant 0 : i32
          %dma_wait3A_239 = tpu.memref_slice %arg5[%run_scoped3A_176, %dma_wait3A_238] : memref<2x512xi32, #tpu.memory_space<vmem>> -> memref<1x512xi32, #tpu.memory_space<vmem>>
          %dma_wait3A_240 = tpu.memref_squeeze %dma_wait3A_239 : memref<1x512xi32, #tpu.memory_space<vmem>> -> memref<512xi32, #tpu.memory_space<vmem>>
          %dma_wait3A_241 = tpu.memref_slice %arg3[%add3A_175] : memref<819200xi32, #tpu.memory_space<hbm>> -> memref<512xi32, #tpu.memory_space<hbm>>
          %dma_wait3A_242 = arith.constant 0 : i32
          %dma_wait3A_243 = tpu.memref_slice %arg5[%run_scoped3A_176, %dma_wait3A_242] : memref<2x512xi32, #tpu.memory_space<vmem>> -> memref<1x512xi32, #tpu.memory_space<vmem>>
          %dma_wait3A_244 = tpu.memref_squeeze %dma_wait3A_243 : memref<1x512xi32, #tpu.memory_space<vmem>> -> memref<512xi32, #tpu.memory_space<vmem>>
          %dma_wait3A_245 = tpu.memref_slice %arg3[%add3A_175] : memref<819200xi32, #tpu.memory_space<hbm>> -> memref<512xi32, #tpu.memory_space<hbm>>
          tpu.wait_dma2 semaphore(%run_scoped3A_229 : memref<!tpu.dma_semaphore, #tpu.memory_space<semaphore_mem>>) src(%dma_wait3A_245 : memref<512xi32, #tpu.memory_space<hbm>>) dst(%dma_wait3A_244 : memref<512xi32, #tpu.memory_space<vmem>>)
          tpu.yield
        }) : () -> ()
        %ge3A = arith.constant 1 : i32
        %ge3A_177 = arith.cmpi sge, %add3A_93, %ge3A : i32
        %convert_element_type3A_178 = arith.extui %ge3A_177 : i1 to i32
        %cond3A_179 = arith.constant 0 : i32
        %cond3A_180 = arith.cmpi ne, %convert_element_type3A_178, %cond3A_179 : i32
        scf.if %cond3A_180 {
          %dma_wait3A_229 = arith.constant 1 : i32
          %dma_wait3A_230 = arith.constant 0 : i32
          %dma_wait3A_231 = arith.constant 0 : i32
          %dma_wait3A_232 = tpu.memref_slice %arg6[%dma_wait3A_229, %dma_wait3A_230, %dma_wait3A_231] : memref<2x512x64xf32, #tpu.memory_space<vmem>> -> memref<1x512x64xf32, #tpu.memory_space<vmem>>
          %dma_wait3A_233 = tpu.memref_squeeze %dma_wait3A_232 : memref<1x512x64xf32, #tpu.memory_space<vmem>> -> memref<512x64xf32, #tpu.memory_space<vmem>>
          %dma_wait3A_234 = arith.constant 0 : i32
          %dma_wait3A_235 = arith.constant 0 : i32
          %dma_wait3A_236 = tpu.memref_slice %arg4[%dma_wait3A_234, %dma_wait3A_235] : memref<819200x64xf32, #tpu.memory_space<hbm>> -> memref<512x64xf32, #tpu.memory_space<hbm>>
          %dma_wait3A_237 = arith.constant 0 : i32
          %dma_wait3A_238 = arith.constant 0 : i32
          %dma_wait3A_239 = tpu.memref_slice %arg6[%dma_wait3A_229, %dma_wait3A_237, %dma_wait3A_238] : memref<2x512x64xf32, #tpu.memory_space<vmem>> -> memref<1x512x64xf32, #tpu.memory_space<vmem>>
          %dma_wait3A_240 = tpu.memref_squeeze %dma_wait3A_239 : memref<1x512x64xf32, #tpu.memory_space<vmem>> -> memref<512x64xf32, #tpu.memory_space<vmem>>
          %dma_wait3A_241 = arith.constant 0 : i32
          %dma_wait3A_242 = arith.constant 0 : i32
          %dma_wait3A_243 = tpu.memref_slice %arg4[%dma_wait3A_241, %dma_wait3A_242] : memref<819200x64xf32, #tpu.memory_space<hbm>> -> memref<512x64xf32, #tpu.memory_space<hbm>>
          tpu.wait_dma2 semaphore(%arg10 : memref<!tpu.dma_semaphore, #tpu.memory_space<semaphore_mem>>) src(%dma_wait3A_243 : memref<512x64xf32, #tpu.memory_space<hbm>>) dst(%dma_wait3A_240 : memref<512x64xf32, #tpu.memory_space<vmem>>)
        } else {
        }
        %dma_start3A_181 = arith.constant 1 : i32
        %dma_start3A_182 = arith.constant 1 : i32
        %dma_start3A_183 = arith.constant 0 : i32
        %dma_start3A_184 = arith.constant 0 : i32
        %dma_start3A_185 = tpu.memref_slice %arg6[%dma_start3A_182, %dma_start3A_183, %dma_start3A_184] : memref<2x512x64xf32, #tpu.memory_space<vmem>> -> memref<1x128x64xf32, #tpu.memory_space<vmem>>
        %dma_start3A_186 = tpu.memref_squeeze %dma_start3A_185 : memref<1x128x64xf32, #tpu.memory_space<vmem>> -> memref<128x64xf32, #tpu.memory_space<vmem>>
        %dma_start3A_187 = arith.constant 0 : i32
        %dma_start3A_188 = tpu.memref_slice %arg5[%dma_start3A_181, %dma_start3A_187] : memref<2x512xi32, #tpu.memory_space<vmem>> -> memref<1x128xi32, #tpu.memory_space<vmem>>
        %dma_start3A_189 = tpu.memref_squeeze %dma_start3A_188 : memref<1x128xi32, #tpu.memory_space<vmem>> -> memref<128xi32, #tpu.memory_space<vmem>>
        %dma_start3A_190 = arith.constant 0 : i32
        %dma_start3A_191 = arith.constant 0 : i32
        %dma_start3A_192 = tpu.memref_slice %arg2[%dma_start3A_190, %dma_start3A_191] : memref<1001472x64xf32, #tpu.memory_space<hbm>> -> memref<1001472x64xf32, #tpu.memory_space<hbm>>
        tpu.enqueue_indirect_dma source(%dma_start3A_192 : memref<1001472x64xf32, #tpu.memory_space<hbm>>) target(%dma_start3A_186 : memref<128x64xf32, #tpu.memory_space<vmem>>) offsets(%dma_start3A_189 : memref<128xi32, #tpu.memory_space<vmem>>) semaphore(%arg8 : memref<!tpu.dma_semaphore, #tpu.memory_space<semaphore_mem>>)
        %dma_start3A_193 = arith.constant 1 : i32
        %dma_start3A_194 = arith.constant 1 : i32
        %dma_start3A_195 = arith.constant 128 : i32
        %dma_start3A_196 = arith.constant 0 : i32
        %dma_start3A_197 = tpu.memref_slice %arg6[%dma_start3A_194, %dma_start3A_195, %dma_start3A_196] : memref<2x512x64xf32, #tpu.memory_space<vmem>> -> memref<1x128x64xf32, #tpu.memory_space<vmem>>
        %dma_start3A_198 = tpu.memref_squeeze %dma_start3A_197 : memref<1x128x64xf32, #tpu.memory_space<vmem>> -> memref<128x64xf32, #tpu.memory_space<vmem>>
        %dma_start3A_199 = arith.constant 128 : i32
        %dma_start3A_200 = tpu.memref_slice %arg5[%dma_start3A_193, %dma_start3A_199] : memref<2x512xi32, #tpu.memory_space<vmem>> -> memref<1x128xi32, #tpu.memory_space<vmem>>
        %dma_start3A_201 = tpu.memref_squeeze %dma_start3A_200 : memref<1x128xi32, #tpu.memory_space<vmem>> -> memref<128xi32, #tpu.memory_space<vmem>>
        %dma_start3A_202 = arith.constant 0 : i32
        %dma_start3A_203 = arith.constant 0 : i32
        %dma_start3A_204 = tpu.memref_slice %arg2[%dma_start3A_202, %dma_start3A_203] : memref<1001472x64xf32, #tpu.memory_space<hbm>> -> memref<1001472x64xf32, #tpu.memory_space<hbm>>
        tpu.enqueue_indirect_dma source(%dma_start3A_204 : memref<1001472x64xf32, #tpu.memory_space<hbm>>) target(%dma_start3A_198 : memref<128x64xf32, #tpu.memory_space<vmem>>) offsets(%dma_start3A_201 : memref<128xi32, #tpu.memory_space<vmem>>) semaphore(%arg8 : memref<!tpu.dma_semaphore, #tpu.memory_space<semaphore_mem>>)
        %dma_start3A_205 = arith.constant 1 : i32
        %dma_start3A_206 = arith.constant 1 : i32
        %dma_start3A_207 = arith.constant 256 : i32
        %dma_start3A_208 = arith.constant 0 : i32
        %dma_start3A_209 = tpu.memref_slice %arg6[%dma_start3A_206, %dma_start3A_207, %dma_start3A_208] : memref<2x512x64xf32, #tpu.memory_space<vmem>> -> memref<1x128x64xf32, #tpu.memory_space<vmem>>
        %dma_start3A_210 = tpu.memref_squeeze %dma_start3A_209 : memref<1x128x64xf32, #tpu.memory_space<vmem>> -> memref<128x64xf32, #tpu.memory_space<vmem>>
        %dma_start3A_211 = arith.constant 256 : i32
        %dma_start3A_212 = tpu.memref_slice %arg5[%dma_start3A_205, %dma_start3A_211] : memref<2x512xi32, #tpu.memory_space<vmem>> -> memref<1x128xi32, #tpu.memory_space<vmem>>
        %dma_start3A_213 = tpu.memref_squeeze %dma_start3A_212 : memref<1x128xi32, #tpu.memory_space<vmem>> -> memref<128xi32, #tpu.memory_space<vmem>>
        %dma_start3A_214 = arith.constant 0 : i32
        %dma_start3A_215 = arith.constant 0 : i32
        %dma_start3A_216 = tpu.memref_slice %arg2[%dma_start3A_214, %dma_start3A_215] : memref<1001472x64xf32, #tpu.memory_space<hbm>> -> memref<1001472x64xf32, #tpu.memory_space<hbm>>
        tpu.enqueue_indirect_dma source(%dma_start3A_216 : memref<1001472x64xf32, #tpu.memory_space<hbm>>) target(%dma_start3A_210 : memref<128x64xf32, #tpu.memory_space<vmem>>) offsets(%dma_start3A_213 : memref<128xi32, #tpu.memory_space<vmem>>) semaphore(%arg8 : memref<!tpu.dma_semaphore, #tpu.memory_space<semaphore_mem>>)
        %dma_start3A_217 = arith.constant 1 : i32
        %dma_start3A_218 = arith.constant 1 : i32
        %dma_start3A_219 = arith.constant 384 : i32
        %dma_start3A_220 = arith.constant 0 : i32
        %dma_start3A_221 = tpu.memref_slice %arg6[%dma_start3A_218, %dma_start3A_219, %dma_start3A_220] : memref<2x512x64xf32, #tpu.memory_space<vmem>> -> memref<1x128x64xf32, #tpu.memory_space<vmem>>
        %dma_start3A_222 = tpu.memref_squeeze %dma_start3A_221 : memref<1x128x64xf32, #tpu.memory_space<vmem>> -> memref<128x64xf32, #tpu.memory_space<vmem>>
        %dma_start3A_223 = arith.constant 384 : i32
        %dma_start3A_224 = tpu.memref_slice %arg5[%dma_start3A_217, %dma_start3A_223] : memref<2x512xi32, #tpu.memory_space<vmem>> -> memref<1x128xi32, #tpu.memory_space<vmem>>
        %dma_start3A_225 = tpu.memref_squeeze %dma_start3A_224 : memref<1x128xi32, #tpu.memory_space<vmem>> -> memref<128xi32, #tpu.memory_space<vmem>>
        %dma_start3A_226 = arith.constant 0 : i32
        %dma_start3A_227 = arith.constant 0 : i32
        %dma_start3A_228 = tpu.memref_slice %arg2[%dma_start3A_226, %dma_start3A_227] : memref<1001472x64xf32, #tpu.memory_space<hbm>> -> memref<1001472x64xf32, #tpu.memory_space<hbm>>
        tpu.enqueue_indirect_dma source(%dma_start3A_228 : memref<1001472x64xf32, #tpu.memory_space<hbm>>) target(%dma_start3A_222 : memref<128x64xf32, #tpu.memory_space<vmem>>) offsets(%dma_start3A_225 : memref<128xi32, #tpu.memory_space<vmem>>) semaphore(%arg8 : memref<!tpu.dma_semaphore, #tpu.memory_space<semaphore_mem>>)
      } else {
      }
      %dma_wait3A_98 = arith.constant 0 : i32
      %dma_wait3A_99 = arith.constant 0 : i32
      %dma_wait3A_100 = arith.constant 0 : i32
      %dma_wait3A_101 = tpu.memref_slice %arg6[%dma_wait3A_98, %dma_wait3A_99, %dma_wait3A_100] : memref<2x512x64xf32, #tpu.memory_space<vmem>> -> memref<1x512x64xf32, #tpu.memory_space<vmem>>
      %dma_wait3A_102 = tpu.memref_squeeze %dma_wait3A_101 : memref<1x512x64xf32, #tpu.memory_space<vmem>> -> memref<512x64xf32, #tpu.memory_space<vmem>>
      %dma_wait3A_103 = arith.constant 0 : i32
      %dma_wait3A_104 = arith.constant 0 : i32
      %dma_wait3A_105 = tpu.memref_slice %arg2[%dma_wait3A_103, %dma_wait3A_104] : memref<1001472x64xf32, #tpu.memory_space<hbm>> -> memref<512x64xf32, #tpu.memory_space<hbm>>
      %dma_wait3A_106 = arith.constant 0 : i32
      %dma_wait3A_107 = arith.constant 0 : i32
      %dma_wait3A_108 = tpu.memref_slice %arg6[%dma_wait3A_98, %dma_wait3A_106, %dma_wait3A_107] : memref<2x512x64xf32, #tpu.memory_space<vmem>> -> memref<1x512x64xf32, #tpu.memory_space<vmem>>
      %dma_wait3A_109 = tpu.memref_squeeze %dma_wait3A_108 : memref<1x512x64xf32, #tpu.memory_space<vmem>> -> memref<512x64xf32, #tpu.memory_space<vmem>>
      %dma_wait3A_110 = arith.constant 0 : i32
      %dma_wait3A_111 = arith.constant 0 : i32
      %dma_wait3A_112 = tpu.memref_slice %arg2[%dma_wait3A_110, %dma_wait3A_111] : memref<1001472x64xf32, #tpu.memory_space<hbm>> -> memref<512x64xf32, #tpu.memory_space<hbm>>
      tpu.wait_dma2 semaphore(%arg7 : memref<!tpu.dma_semaphore, #tpu.memory_space<semaphore_mem>>) src(%dma_wait3A_112 : memref<512x64xf32, #tpu.memory_space<hbm>>) dst(%dma_wait3A_109 : memref<512x64xf32, #tpu.memory_space<vmem>>)
      %mul3A_113 = arith.constant 512 : i32
      %mul3A_114 = arith.muli %add3A_93, %mul3A_113 : i32
      %add3A_115 = arith.addi %mul3A_2, %mul3A_114 : i32
      %dma_start3A_116 = arith.constant 0 : i32
      %dma_start3A_117 = arith.constant 0 : i32
      %dma_start3A_118 = arith.constant 0 : i32
      %dma_start3A_119 = tpu.memref_slice %arg6[%dma_start3A_116, %dma_start3A_117, %dma_start3A_118] : memref<2x512x64xf32, #tpu.memory_space<vmem>> -> memref<1x512x64xf32, #tpu.memory_space<vmem>>
      %dma_start3A_120 = tpu.memref_squeeze %dma_start3A_119 : memref<1x512x64xf32, #tpu.memory_space<vmem>> -> memref<512x64xf32, #tpu.memory_space<vmem>>
      %dma_start3A_121 = arith.constant 0 : i32
      %dma_start3A_122 = tpu.memref_slice %arg4[%add3A_115, %dma_start3A_121] : memref<819200x64xf32, #tpu.memory_space<hbm>> -> memref<512x64xf32, #tpu.memory_space<hbm>>
      %dma_start3A_123 = arith.constant 0 : i32
      %dma_start3A_124 = tpu.memref_slice %arg4[%add3A_115, %dma_start3A_123] : memref<819200x64xf32, #tpu.memory_space<hbm>> -> memref<512x64xf32, #tpu.memory_space<hbm>>
      %dma_start3A_125 = arith.constant 0 : i32
      %dma_start3A_126 = arith.constant 0 : i32
      %dma_start3A_127 = tpu.memref_slice %arg6[%dma_start3A_116, %dma_start3A_125, %dma_start3A_126] : memref<2x512x64xf32, #tpu.memory_space<vmem>> -> memref<1x512x64xf32, #tpu.memory_space<vmem>>
      %dma_start3A_128 = tpu.memref_squeeze %dma_start3A_127 : memref<1x512x64xf32, #tpu.memory_space<vmem>> -> memref<512x64xf32, #tpu.memory_space<vmem>>
      tpu.enqueue_dma source(%dma_start3A_128 : memref<512x64xf32, #tpu.memory_space<vmem>>) target(%dma_start3A_124 : memref<512x64xf32, #tpu.memory_space<hbm>>) target_semaphore(%arg9 : memref<!tpu.dma_semaphore, #tpu.memory_space<semaphore_mem>>)
      %mul3A_129 = arith.constant 2 : i32
      %mul3A_130 = arith.muli %add3A_89, %mul3A_129 : i32
      %add3A_131 = arith.constant 1 : i32
      %add3A_132 = arith.addi %mul3A_130, %add3A_131 : i32
      %add3A_133 = arith.constant 1 : i32
      %add3A_134 = arith.addi %add3A_132, %add3A_133 : i32
      %lt3A_135 = arith.constant 50 : i32
      %lt3A_136 = arith.cmpi slt, %add3A_134, %lt3A_135 : i32
      %convert_element_type3A_137 = arith.extui %lt3A_136 : i1 to i32
      %cond3A_138 = arith.constant 0 : i32
      %cond3A_139 = arith.cmpi ne, %convert_element_type3A_137, %cond3A_138 : i32
      scf.if %cond3A_139 {
        %add3A_171 = arith.constant 1 : i32
        %add3A_172 = arith.addi %add3A_132, %add3A_171 : i32
        %mul3A_173 = arith.constant 512 : i32
        %mul3A_174 = arith.muli %add3A_172, %mul3A_173 : i32
        %add3A_175 = arith.addi %mul3A_2, %mul3A_174 : i32
        %run_scoped3A_176 = arith.constant 0 : i32
        "tpu.region"() ({
          %run_scoped3A_229 = tpu.sem_alloc : memref<!tpu.dma_semaphore, #tpu.memory_space<semaphore_mem>>
          %dma_start3A_230 = arith.constant 0 : i32
          %dma_start3A_231 = tpu.memref_slice %arg5[%run_scoped3A_176, %dma_start3A_230] : memref<2x512xi32, #tpu.memory_space<vmem>> -> memref<1x512xi32, #tpu.memory_space<vmem>>
          %dma_start3A_232 = tpu.memref_squeeze %dma_start3A_231 : memref<1x512xi32, #tpu.memory_space<vmem>> -> memref<512xi32, #tpu.memory_space<vmem>>
          %dma_start3A_233 = tpu.memref_slice %arg3[%add3A_175] : memref<819200xi32, #tpu.memory_space<hbm>> -> memref<512xi32, #tpu.memory_space<hbm>>
          %dma_start3A_234 = arith.constant 0 : i32
          %dma_start3A_235 = tpu.memref_slice %arg5[%run_scoped3A_176, %dma_start3A_234] : memref<2x512xi32, #tpu.memory_space<vmem>> -> memref<1x512xi32, #tpu.memory_space<vmem>>
          %dma_start3A_236 = tpu.memref_squeeze %dma_start3A_235 : memref<1x512xi32, #tpu.memory_space<vmem>> -> memref<512xi32, #tpu.memory_space<vmem>>
          %dma_start3A_237 = tpu.memref_slice %arg3[%add3A_175] : memref<819200xi32, #tpu.memory_space<hbm>> -> memref<512xi32, #tpu.memory_space<hbm>>
          tpu.enqueue_dma source(%dma_start3A_237 : memref<512xi32, #tpu.memory_space<hbm>>) target(%dma_start3A_236 : memref<512xi32, #tpu.memory_space<vmem>>) target_semaphore(%run_scoped3A_229 : memref<!tpu.dma_semaphore, #tpu.memory_space<semaphore_mem>>)
          %dma_wait3A_238 = arith.constant 0 : i32
          %dma_wait3A_239 = tpu.memref_slice %arg5[%run_scoped3A_176, %dma_wait3A_238] : memref<2x512xi32, #tpu.memory_space<vmem>> -> memref<1x512xi32, #tpu.memory_space<vmem>>
          %dma_wait3A_240 = tpu.memref_squeeze %dma_wait3A_239 : memref<1x512xi32, #tpu.memory_space<vmem>> -> memref<512xi32, #tpu.memory_space<vmem>>
          %dma_wait3A_241 = tpu.memref_slice %arg3[%add3A_175] : memref<819200xi32, #tpu.memory_space<hbm>> -> memref<512xi32, #tpu.memory_space<hbm>>
          %dma_wait3A_242 = arith.constant 0 : i32
          %dma_wait3A_243 = tpu.memref_slice %arg5[%run_scoped3A_176, %dma_wait3A_242] : memref<2x512xi32, #tpu.memory_space<vmem>> -> memref<1x512xi32, #tpu.memory_space<vmem>>
          %dma_wait3A_244 = tpu.memref_squeeze %dma_wait3A_243 : memref<1x512xi32, #tpu.memory_space<vmem>> -> memref<512xi32, #tpu.memory_space<vmem>>
          %dma_wait3A_245 = tpu.memref_slice %arg3[%add3A_175] : memref<819200xi32, #tpu.memory_space<hbm>> -> memref<512xi32, #tpu.memory_space<hbm>>
          tpu.wait_dma2 semaphore(%run_scoped3A_229 : memref<!tpu.dma_semaphore, #tpu.memory_space<semaphore_mem>>) src(%dma_wait3A_245 : memref<512xi32, #tpu.memory_space<hbm>>) dst(%dma_wait3A_244 : memref<512xi32, #tpu.memory_space<vmem>>)
          tpu.yield
        }) : () -> ()
        %ge3A = arith.constant 1 : i32
        %ge3A_177 = arith.cmpi sge, %add3A_132, %ge3A : i32
        %convert_element_type3A_178 = arith.extui %ge3A_177 : i1 to i32
        %cond3A_179 = arith.constant 0 : i32
        %cond3A_180 = arith.cmpi ne, %convert_element_type3A_178, %cond3A_179 : i32
        scf.if %cond3A_180 {
          %dma_wait3A_229 = arith.constant 0 : i32
          %dma_wait3A_230 = arith.constant 0 : i32
          %dma_wait3A_231 = arith.constant 0 : i32
          %dma_wait3A_232 = tpu.memref_slice %arg6[%dma_wait3A_229, %dma_wait3A_230, %dma_wait3A_231] : memref<2x512x64xf32, #tpu.memory_space<vmem>> -> memref<1x512x64xf32, #tpu.memory_space<vmem>>
          %dma_wait3A_233 = tpu.memref_squeeze %dma_wait3A_232 : memref<1x512x64xf32, #tpu.memory_space<vmem>> -> memref<512x64xf32, #tpu.memory_space<vmem>>
          %dma_wait3A_234 = arith.constant 0 : i32
          %dma_wait3A_235 = arith.constant 0 : i32
          %dma_wait3A_236 = tpu.memref_slice %arg4[%dma_wait3A_234, %dma_wait3A_235] : memref<819200x64xf32, #tpu.memory_space<hbm>> -> memref<512x64xf32, #tpu.memory_space<hbm>>
          %dma_wait3A_237 = arith.constant 0 : i32
          %dma_wait3A_238 = arith.constant 0 : i32
          %dma_wait3A_239 = tpu.memref_slice %arg6[%dma_wait3A_229, %dma_wait3A_237, %dma_wait3A_238] : memref<2x512x64xf32, #tpu.memory_space<vmem>> -> memref<1x512x64xf32, #tpu.memory_space<vmem>>
          %dma_wait3A_240 = tpu.memref_squeeze %dma_wait3A_239 : memref<1x512x64xf32, #tpu.memory_space<vmem>> -> memref<512x64xf32, #tpu.memory_space<vmem>>
          %dma_wait3A_241 = arith.constant 0 : i32
          %dma_wait3A_242 = arith.constant 0 : i32
          %dma_wait3A_243 = tpu.memref_slice %arg4[%dma_wait3A_241, %dma_wait3A_242] : memref<819200x64xf32, #tpu.memory_space<hbm>> -> memref<512x64xf32, #tpu.memory_space<hbm>>
          tpu.wait_dma2 semaphore(%arg9 : memref<!tpu.dma_semaphore, #tpu.memory_space<semaphore_mem>>) src(%dma_wait3A_243 : memref<512x64xf32, #tpu.memory_space<hbm>>) dst(%dma_wait3A_240 : memref<512x64xf32, #tpu.memory_space<vmem>>)
        } else {
        }
        %dma_start3A_181 = arith.constant 0 : i32
        %dma_start3A_182 = arith.constant 0 : i32
        %dma_start3A_183 = arith.constant 0 : i32
        %dma_start3A_184 = arith.constant 0 : i32
        %dma_start3A_185 = tpu.memref_slice %arg6[%dma_start3A_182, %dma_start3A_183, %dma_start3A_184] : memref<2x512x64xf32, #tpu.memory_space<vmem>> -> memref<1x128x64xf32, #tpu.memory_space<vmem>>
        %dma_start3A_186 = tpu.memref_squeeze %dma_start3A_185 : memref<1x128x64xf32, #tpu.memory_space<vmem>> -> memref<128x64xf32, #tpu.memory_space<vmem>>
        %dma_start3A_187 = arith.constant 0 : i32
        %dma_start3A_188 = tpu.memref_slice %arg5[%dma_start3A_181, %dma_start3A_187] : memref<2x512xi32, #tpu.memory_space<vmem>> -> memref<1x128xi32, #tpu.memory_space<vmem>>
        %dma_start3A_189 = tpu.memref_squeeze %dma_start3A_188 : memref<1x128xi32, #tpu.memory_space<vmem>> -> memref<128xi32, #tpu.memory_space<vmem>>
        %dma_start3A_190 = arith.constant 0 : i32
        %dma_start3A_191 = arith.constant 0 : i32
        %dma_start3A_192 = tpu.memref_slice %arg2[%dma_start3A_190, %dma_start3A_191] : memref<1001472x64xf32, #tpu.memory_space<hbm>> -> memref<1001472x64xf32, #tpu.memory_space<hbm>>
        tpu.enqueue_indirect_dma source(%dma_start3A_192 : memref<1001472x64xf32, #tpu.memory_space<hbm>>) target(%dma_start3A_186 : memref<128x64xf32, #tpu.memory_space<vmem>>) offsets(%dma_start3A_189 : memref<128xi32, #tpu.memory_space<vmem>>) semaphore(%arg7 : memref<!tpu.dma_semaphore, #tpu.memory_space<semaphore_mem>>)
        %dma_start3A_193 = arith.constant 0 : i32
        %dma_start3A_194 = arith.constant 0 : i32
        %dma_start3A_195 = arith.constant 128 : i32
        %dma_start3A_196 = arith.constant 0 : i32
        %dma_start3A_197 = tpu.memref_slice %arg6[%dma_start3A_194, %dma_start3A_195, %dma_start3A_196] : memref<2x512x64xf32, #tpu.memory_space<vmem>> -> memref<1x128x64xf32, #tpu.memory_space<vmem>>
        %dma_start3A_198 = tpu.memref_squeeze %dma_start3A_197 : memref<1x128x64xf32, #tpu.memory_space<vmem>> -> memref<128x64xf32, #tpu.memory_space<vmem>>
        %dma_start3A_199 = arith.constant 128 : i32
        %dma_start3A_200 = tpu.memref_slice %arg5[%dma_start3A_193, %dma_start3A_199] : memref<2x512xi32, #tpu.memory_space<vmem>> -> memref<1x128xi32, #tpu.memory_space<vmem>>
        %dma_start3A_201 = tpu.memref_squeeze %dma_start3A_200 : memref<1x128xi32, #tpu.memory_space<vmem>> -> memref<128xi32, #tpu.memory_space<vmem>>
        %dma_start3A_202 = arith.constant 0 : i32
        %dma_start3A_203 = arith.constant 0 : i32
        %dma_start3A_204 = tpu.memref_slice %arg2[%dma_start3A_202, %dma_start3A_203] : memref<1001472x64xf32, #tpu.memory_space<hbm>> -> memref<1001472x64xf32, #tpu.memory_space<hbm>>
        tpu.enqueue_indirect_dma source(%dma_start3A_204 : memref<1001472x64xf32, #tpu.memory_space<hbm>>) target(%dma_start3A_198 : memref<128x64xf32, #tpu.memory_space<vmem>>) offsets(%dma_start3A_201 : memref<128xi32, #tpu.memory_space<vmem>>) semaphore(%arg7 : memref<!tpu.dma_semaphore, #tpu.memory_space<semaphore_mem>>)
        %dma_start3A_205 = arith.constant 0 : i32
        %dma_start3A_206 = arith.constant 0 : i32
        %dma_start3A_207 = arith.constant 256 : i32
        %dma_start3A_208 = arith.constant 0 : i32
        %dma_start3A_209 = tpu.memref_slice %arg6[%dma_start3A_206, %dma_start3A_207, %dma_start3A_208] : memref<2x512x64xf32, #tpu.memory_space<vmem>> -> memref<1x128x64xf32, #tpu.memory_space<vmem>>
        %dma_start3A_210 = tpu.memref_squeeze %dma_start3A_209 : memref<1x128x64xf32, #tpu.memory_space<vmem>> -> memref<128x64xf32, #tpu.memory_space<vmem>>
        %dma_start3A_211 = arith.constant 256 : i32
        %dma_start3A_212 = tpu.memref_slice %arg5[%dma_start3A_205, %dma_start3A_211] : memref<2x512xi32, #tpu.memory_space<vmem>> -> memref<1x128xi32, #tpu.memory_space<vmem>>
        %dma_start3A_213 = tpu.memref_squeeze %dma_start3A_212 : memref<1x128xi32, #tpu.memory_space<vmem>> -> memref<128xi32, #tpu.memory_space<vmem>>
        %dma_start3A_214 = arith.constant 0 : i32
        %dma_start3A_215 = arith.constant 0 : i32
        %dma_start3A_216 = tpu.memref_slice %arg2[%dma_start3A_214, %dma_start3A_215] : memref<1001472x64xf32, #tpu.memory_space<hbm>> -> memref<1001472x64xf32, #tpu.memory_space<hbm>>
        tpu.enqueue_indirect_dma source(%dma_start3A_216 : memref<1001472x64xf32, #tpu.memory_space<hbm>>) target(%dma_start3A_210 : memref<128x64xf32, #tpu.memory_space<vmem>>) offsets(%dma_start3A_213 : memref<128xi32, #tpu.memory_space<vmem>>) semaphore(%arg7 : memref<!tpu.dma_semaphore, #tpu.memory_space<semaphore_mem>>)
        %dma_start3A_217 = arith.constant 0 : i32
        %dma_start3A_218 = arith.constant 0 : i32
        %dma_start3A_219 = arith.constant 384 : i32
        %dma_start3A_220 = arith.constant 0 : i32
        %dma_start3A_221 = tpu.memref_slice %arg6[%dma_start3A_218, %dma_start3A_219, %dma_start3A_220] : memref<2x512x64xf32, #tpu.memory_space<vmem>> -> memref<1x128x64xf32, #tpu.memory_space<vmem>>
        %dma_start3A_222 = tpu.memref_squeeze %dma_start3A_221 : memref<1x128x64xf32, #tpu.memory_space<vmem>> -> memref<128x64xf32, #tpu.memory_space<vmem>>
        %dma_start3A_223 = arith.constant 384 : i32
        %dma_start3A_224 = tpu.memref_slice %arg5[%dma_start3A_217, %dma_start3A_223] : memref<2x512xi32, #tpu.memory_space<vmem>> -> memref<1x128xi32, #tpu.memory_space<vmem>>
        %dma_start3A_225 = tpu.memref_squeeze %dma_start3A_224 : memref<1x128xi32, #tpu.memory_space<vmem>> -> memref<128xi32, #tpu.memory_space<vmem>>
        %dma_start3A_226 = arith.constant 0 : i32
        %dma_start3A_227 = arith.constant 0 : i32
        %dma_start3A_228 = tpu.memref_slice %arg2[%dma_start3A_226, %dma_start3A_227] : memref<1001472x64xf32, #tpu.memory_space<hbm>> -> memref<1001472x64xf32, #tpu.memory_space<hbm>>
        tpu.enqueue_indirect_dma source(%dma_start3A_228 : memref<1001472x64xf32, #tpu.memory_space<hbm>>) target(%dma_start3A_222 : memref<128x64xf32, #tpu.memory_space<vmem>>) offsets(%dma_start3A_225 : memref<128xi32, #tpu.memory_space<vmem>>) semaphore(%arg7 : memref<!tpu.dma_semaphore, #tpu.memory_space<semaphore_mem>>)
      } else {
      }
      %dma_wait3A_140 = arith.constant 1 : i32
      %dma_wait3A_141 = arith.constant 0 : i32
      %dma_wait3A_142 = arith.constant 0 : i32
      %dma_wait3A_143 = tpu.memref_slice %arg6[%dma_wait3A_140, %dma_wait3A_141, %dma_wait3A_142] : memref<2x512x64xf32, #tpu.memory_space<vmem>> -> memref<1x512x64xf32, #tpu.memory_space<vmem>>
      %dma_wait3A_144 = tpu.memref_squeeze %dma_wait3A_143 : memref<1x512x64xf32, #tpu.memory_space<vmem>> -> memref<512x64xf32, #tpu.memory_space<vmem>>
      %dma_wait3A_145 = arith.constant 0 : i32
      %dma_wait3A_146 = arith.constant 0 : i32
      %dma_wait3A_147 = tpu.memref_slice %arg2[%dma_wait3A_145, %dma_wait3A_146] : memref<1001472x64xf32, #tpu.memory_space<hbm>> -> memref<512x64xf32, #tpu.memory_space<hbm>>
      %dma_wait3A_148 = arith.constant 0 : i32
      %dma_wait3A_149 = arith.constant 0 : i32
      %dma_wait3A_150 = tpu.memref_slice %arg6[%dma_wait3A_140, %dma_wait3A_148, %dma_wait3A_149] : memref<2x512x64xf32, #tpu.memory_space<vmem>> -> memref<1x512x64xf32, #tpu.memory_space<vmem>>
      %dma_wait3A_151 = tpu.memref_squeeze %dma_wait3A_150 : memref<1x512x64xf32, #tpu.memory_space<vmem>> -> memref<512x64xf32, #tpu.memory_space<vmem>>
      %dma_wait3A_152 = arith.constant 0 : i32
      %dma_wait3A_153 = arith.constant 0 : i32
      %dma_wait3A_154 = tpu.memref_slice %arg2[%dma_wait3A_152, %dma_wait3A_153] : memref<1001472x64xf32, #tpu.memory_space<hbm>> -> memref<512x64xf32, #tpu.memory_space<hbm>>
      tpu.wait_dma2 semaphore(%arg8 : memref<!tpu.dma_semaphore, #tpu.memory_space<semaphore_mem>>) src(%dma_wait3A_154 : memref<512x64xf32, #tpu.memory_space<hbm>>) dst(%dma_wait3A_151 : memref<512x64xf32, #tpu.memory_space<vmem>>)
      %mul3A_155 = arith.constant 512 : i32
      %mul3A_156 = arith.muli %add3A_132, %mul3A_155 : i32
      %add3A_157 = arith.addi %mul3A_2, %mul3A_156 : i32
      %dma_start3A_158 = arith.constant 1 : i32
      %dma_start3A_159 = arith.constant 0 : i32
      %dma_start3A_160 = arith.constant 0 : i32
      %dma_start3A_161 = tpu.memref_slice %arg6[%dma_start3A_158, %dma_start3A_159, %dma_start3A_160] : memref<2x512x64xf32, #tpu.memory_space<vmem>> -> memref<1x512x64xf32, #tpu.memory_space<vmem>>
      %dma_start3A_162 = tpu.memref_squeeze %dma_start3A_161 : memref<1x512x64xf32, #tpu.memory_space<vmem>> -> memref<512x64xf32, #tpu.memory_space<vmem>>
      %dma_start3A_163 = arith.constant 0 : i32
      %dma_start3A_164 = tpu.memref_slice %arg4[%add3A_157, %dma_start3A_163] : memref<819200x64xf32, #tpu.memory_space<hbm>> -> memref<512x64xf32, #tpu.memory_space<hbm>>
      %dma_start3A_165 = arith.constant 0 : i32
      %dma_start3A_166 = tpu.memref_slice %arg4[%add3A_157, %dma_start3A_165] : memref<819200x64xf32, #tpu.memory_space<hbm>> -> memref<512x64xf32, #tpu.memory_space<hbm>>
      %dma_start3A_167 = arith.constant 0 : i32
      %dma_start3A_168 = arith.constant 0 : i32
      %dma_start3A_169 = tpu.memref_slice %arg6[%dma_start3A_158, %dma_start3A_167, %dma_start3A_168] : memref<2x512x64xf32, #tpu.memory_space<vmem>> -> memref<1x512x64xf32, #tpu.memory_space<vmem>>
      %dma_start3A_170 = tpu.memref_squeeze %dma_start3A_169 : memref<1x512x64xf32, #tpu.memory_space<vmem>> -> memref<512x64xf32, #tpu.memory_space<vmem>>
      tpu.enqueue_dma source(%dma_start3A_170 : memref<512x64xf32, #tpu.memory_space<vmem>>) target(%dma_start3A_166 : memref<512x64xf32, #tpu.memory_space<hbm>>) target_semaphore(%arg10 : memref<!tpu.dma_semaphore, #tpu.memory_space<semaphore_mem>>)
    }
    %scan3A_55 = arith.constant 25 : i32
    %dma_wait3A = arith.constant 0 : i32
    %dma_wait3A_56 = arith.constant 0 : i32
    %dma_wait3A_57 = arith.constant 0 : i32
    %dma_wait3A_58 = tpu.memref_slice %arg6[%dma_wait3A, %dma_wait3A_56, %dma_wait3A_57] : memref<2x512x64xf32, #tpu.memory_space<vmem>> -> memref<1x512x64xf32, #tpu.memory_space<vmem>>
    %dma_wait3A_59 = tpu.memref_squeeze %dma_wait3A_58 : memref<1x512x64xf32, #tpu.memory_space<vmem>> -> memref<512x64xf32, #tpu.memory_space<vmem>>
    %dma_wait3A_60 = arith.constant 0 : i32
    %dma_wait3A_61 = arith.constant 0 : i32
    %dma_wait3A_62 = tpu.memref_slice %arg4[%dma_wait3A_60, %dma_wait3A_61] : memref<819200x64xf32, #tpu.memory_space<hbm>> -> memref<512x64xf32, #tpu.memory_space<hbm>>
    %dma_wait3A_63 = arith.constant 0 : i32
    %dma_wait3A_64 = arith.constant 0 : i32
    %dma_wait3A_65 = tpu.memref_slice %arg6[%dma_wait3A, %dma_wait3A_63, %dma_wait3A_64] : memref<2x512x64xf32, #tpu.memory_space<vmem>> -> memref<1x512x64xf32, #tpu.memory_space<vmem>>
    %dma_wait3A_66 = tpu.memref_squeeze %dma_wait3A_65 : memref<1x512x64xf32, #tpu.memory_space<vmem>> -> memref<512x64xf32, #tpu.memory_space<vmem>>
    %dma_wait3A_67 = arith.constant 0 : i32
    %dma_wait3A_68 = arith.constant 0 : i32
    %dma_wait3A_69 = tpu.memref_slice %arg4[%dma_wait3A_67, %dma_wait3A_68] : memref<819200x64xf32, #tpu.memory_space<hbm>> -> memref<512x64xf32, #tpu.memory_space<hbm>>
    tpu.wait_dma2 semaphore(%arg9 : memref<!tpu.dma_semaphore, #tpu.memory_space<semaphore_mem>>) src(%dma_wait3A_69 : memref<512x64xf32, #tpu.memory_space<hbm>>) dst(%dma_wait3A_66 : memref<512x64xf32, #tpu.memory_space<vmem>>)
    %dma_wait3A_70 = arith.constant 1 : i32
    %dma_wait3A_71 = arith.constant 0 : i32
    %dma_wait3A_72 = arith.constant 0 : i32
    %dma_wait3A_73 = tpu.memref_slice %arg6[%dma_wait3A_70, %dma_wait3A_71, %dma_wait3A_72] : memref<2x512x64xf32, #tpu.memory_space<vmem>> -> memref<1x512x64xf32, #tpu.memory_space<vmem>>
    %dma_wait3A_74 = tpu.memref_squeeze %dma_wait3A_73 : memref<1x512x64xf32, #tpu.memory_space<vmem>> -> memref<512x64xf32, #tpu.memory_space<vmem>>
    %dma_wait3A_75 = arith.constant 0 : i32
    %dma_wait3A_76 = arith.constant 0 : i32
    %dma_wait3A_77 = tpu.memref_slice %arg4[%dma_wait3A_75, %dma_wait3A_76] : memref<819200x64xf32, #tpu.memory_space<hbm>> -> memref<512x64xf32, #tpu.memory_space<hbm>>
    %dma_wait3A_78 = arith.constant 0 : i32
    %dma_wait3A_79 = arith.constant 0 : i32
    %dma_wait3A_80 = tpu.memref_slice %arg6[%dma_wait3A_70, %dma_wait3A_78, %dma_wait3A_79] : memref<2x512x64xf32, #tpu.memory_space<vmem>> -> memref<1x512x64xf32, #tpu.memory_space<vmem>>
    %dma_wait3A_81 = tpu.memref_squeeze %dma_wait3A_80 : memref<1x512x64xf32, #tpu.memory_space<vmem>> -> memref<512x64xf32, #tpu.memory_space<vmem>>
    %dma_wait3A_82 = arith.constant 0 : i32
    %dma_wait3A_83 = arith.constant 0 : i32
    %dma_wait3A_84 = tpu.memref_slice %arg4[%dma_wait3A_82, %dma_wait3A_83] : memref<819200x64xf32, #tpu.memory_space<hbm>> -> memref<512x64xf32, #tpu.memory_space<hbm>>
    tpu.wait_dma2 semaphore(%arg10 : memref<!tpu.dma_semaphore, #tpu.memory_space<semaphore_mem>>) src(%dma_wait3A_84 : memref<512x64xf32, #tpu.memory_space<hbm>>) dst(%dma_wait3A_81 : memref<512x64xf32, #tpu.memory_space<vmem>>)
    return
  }
}

module attributes {stable_mosaic.version = 14 : i64} {
  func.func @body(%arg0: i32, %arg1: memref<64x2048xf32, #tpu.memory_space<vmem>>, %arg2: memref<1024x128xf32, #tpu.memory_space<vmem>>) attributes {dimension_semantics = [#tpu.dimension_semantics<arbitrary>], iteration_bounds = array<i64: 489>, scalar_prefetch = 0 : i64, scratch_operands = 0 : i64, tpu.core_type = #tpu.core_type<tc>, window_params = [{transform_indices = @transform_0, window_bounds = array<i64: 64, 2048>}, {transform_indices = @transform_1, window_bounds = array<i64: 1024, 128>}]} {
    %get3A = arith.constant 0 : index
    %get3A_0 = arith.constant 0 : index
    %get3A_1 = vector.load %arg1[%get3A, %get3A_0] : memref<64x2048xf32, #tpu.memory_space<vmem>>, vector<64x2048xf32>
    %slice3A = vector.extract_strided_slice %get3A_1 {offsets = [0, 0], sizes = [64, 1024], strides = [1, 1]} : vector<64x2048xf32> to vector<64x1024xf32>
    %transpose3A = tpu.transpose %slice3A, [1, 0] : vector<64x1024xf32> -> vector<1024x64xf32>
    %mul3A = arith.constant 8.000000e+00 : f32
    %mul3A_2 = vector.broadcast %mul3A : f32 to vector<1024x64xf32>
    %mul3A_3 = arith.mulf %transpose3A, %mul3A_2 : vector<1024x64xf32>
    %slice3A_4 = vector.extract_strided_slice %get3A_1 {offsets = [0, 1024], sizes = [64, 1024], strides = [1, 1]} : vector<64x2048xf32> to vector<64x1024xf32>
    %transpose3A_5 = tpu.transpose %slice3A_4, [1, 0] : vector<64x1024xf32> -> vector<1024x64xf32>
    %mul3A_6 = arith.constant 8.000000e+00 : f32
    %mul3A_7 = vector.broadcast %mul3A_6 : f32 to vector<1024x64xf32>
    %mul3A_8 = arith.mulf %transpose3A_5, %mul3A_7 : vector<1024x64xf32>
    %concatenate3A = tpu.concatenate %mul3A_3, %mul3A_8 in 1 : vector<1024x64xf32>, vector<1024x64xf32> -> vector<1024x128xf32>
    %swap3A = arith.constant 0 : index
    %swap3A_9 = arith.constant 0 : index
    %swap3A_10 = vector.load %arg2[%swap3A, %swap3A_9] : memref<1024x128xf32, #tpu.memory_space<vmem>>, vector<1024x128xf32>
    tpu.vector_store %arg2[%swap3A, %swap3A_9], %concatenate3A {strides = array<i32>} : memref<1024x128xf32, #tpu.memory_space<vmem>>, vector<1024x128xf32>,
    return
  }
  func.func @transform_0(%arg0: i32) -> (i32, i32) {
    %c0_i32 = arith.constant 0 : i32
    %c0_i32_0 = arith.constant 0 : i32
    return %c0_i32, %arg0 : i32, i32
  }
  func.func @transform_1(%arg0: i32) -> (i32, i32) {
    %c0_i32 = arith.constant 0 : i32
    %c0_i32_0 = arith.constant 0 : i32
    return %arg0, %c0_i32 : i32, i32
  }
}

module attributes {stable_mosaic.version = 14 : i64} {
  func.func @body(%arg0: i32, %arg1: memref<6400x128xf32, #tpu.memory_space<vmem>>, %arg2: memref<50x64x256xf32, #tpu.memory_space<vmem>>) attributes {dimension_semantics = [#tpu.dimension_semantics<arbitrary>], iteration_bounds = array<i64: 64>, scalar_prefetch = 0 : i64, scratch_operands = 0 : i64, tpu.core_type = #tpu.core_type<tc>, window_params = [{transform_indices = @transform_0, window_bounds = array<i64: 6400, 128>}, {transform_indices = @transform_1, window_bounds = array<i64: 50, 64, 256>}]} {
    %get3A = arith.constant 0 : index
    %get3A_0 = arith.constant 0 : index
    %get3A_1 = vector.load %arg1[%get3A, %get3A_0] : memref<6400x128xf32, #tpu.memory_space<vmem>>, vector<6400x128xf32>
    %reshape3A = vector.shape_cast %get3A_1 : vector<6400x128xf32> to vector<256x3200xf32>
    %transpose3A = tpu.transpose %reshape3A, [1, 0] : vector<256x3200xf32> -> vector<3200x256xf32>
    %reshape3A_2 = vector.shape_cast %transpose3A : vector<3200x256xf32> to vector<50x64x256xf32>
    %swap3A = arith.constant 0 : index
    %swap3A_3 = arith.constant 0 : index
    %swap3A_4 = arith.constant 0 : index
    %swap3A_5 = vector.load %arg2[%swap3A, %swap3A_3, %swap3A_4] : memref<50x64x256xf32, #tpu.memory_space<vmem>>, vector<50x64x256xf32>
    tpu.vector_store %arg2[%swap3A, %swap3A_3, %swap3A_4], %reshape3A_2 {strides = array<i32>} : memref<50x64x256xf32, #tpu.memory_space<vmem>>, vector<50x64x256xf32>,
    return
  }
  func.func @transform_0(%arg0: i32) -> (i32, i32) {
    %c0_i32 = arith.constant 0 : i32
    %c0_i32_0 = arith.constant 0 : i32
    return %arg0, %c0_i32 : i32, i32
  }
  func.func @transform_1(%arg0: i32) -> (i32, i32, i32) {
    %c0_i32 = arith.constant 0 : i32
    %c0_i32_0 = arith.constant 0 : i32
    %c0_i32_1 = arith.constant 0 : i32
    return %c0_i32, %c0_i32_0, %arg0 : i32, i32, i32
  }
}

</mosaic_0001>

<sc_bundles>
// kernel: kernel.5.cloned.1.call-start
scs
__scs_entry_jumppad:
0x0: {  	(pc) =	sbr.rel $0x88, $3  }
0x1: {  	(tag) =	ssettag $0x0;
	lr =	simm.s32 $0x1  }
0x2: {  	[smem:$0x3F9F] =	sst lr;
	_ =	strace $0xD0000000  }
0x3: {  	_ = 	snop  }
0x4: {  	_ = 	snop  }
0x5: {  	_ = 	snop  }
0x6: {  	_ = 	snop  }
0x7: {  	_ = 	snop  }
__scs_overlays_trampoline_lowered:
0x8: {  	[smem:$0x3FAE] =	sst s0  }
0x9: {  	[smem:$0x3FAF] =	sst s1  }
0xa: {  	[smem:$0x3FB0] =	sst s2  }
0xb: {  	[smem:$0x3FB1] =	sst s3  }
0xc: {  	[smem:$0x3FB2] =	sst s4  }
0xd: {  	[smem:$0x3FB3] =	sst s5  }
0xe: {  	[smem:$0x3FB4] =	sst s6  }
0xf: {  	[smem:$0x3FB5] =	sst s7  }
0x10: {  	[smem:$0x3FB6] =	sst s8  }
0x11: {  	[smem:$0x3FB7] =	sst s9;
	s0 =	simm.s32 @!p0 $0x0  }
0x12: {  	s1 =	sld [smem:$0x3F9D];
	s0 =	simm.s32 @p0 $0x1  }
0x13: {  	[smem:$0x3FB8] =	sst s0;
	s0 =	simm.s32 @!p1 $0x0  }
0x14: {  	s2 =	sld [smem:$0x3F9C];
	s0 =	simm.s32 @p1 $0x1  }
0x15: {  	[smem:$0x3FB9] =	sst s0;
	s0 =	simm.s32 @!p2 $0x0  }
0x16: {  	s3 =	sld [smem:$0x3FDB];
	s0 =	simm.s32 @p2 $0x1  }
0x17: {  	s4 =	simm.s32 $0x1BF5;
	[smem:$0x3FBB] =	sst s0  }
0x18: {  	s0 =	sld [smem:$0x3F9E];
	_ =	swait.ge [sflag:s4], $0x0  }
0x19: {  	s7 =	sld [smem:$0x3F9F]  }
0x1a: {  	s8 =	sadd.s32 $0xFFFFE003, lr  }
0x1b: {  	s9 =	sadd.s32 $0xFFFFFEF7, lr;
	s5 =	simm.s32 $0xFFFFFFFF;
	p2 =	slt.u32 s8, $0xFFFFF086  }
0x1c: {  	p1 =	slt.u32 s9, $0xF7A;
	s5 =	simm.s32 @!p2 $0x0  }
0x1d: {  	s5 =	simm.s32 @p1 $0x1;
	p0 =	seq.s32 s7, s2  }
0x1e: {  	s7 =	smul.u32 @!p0 $0xF7A, s2;
	p2 =	seq.s32 @!p0 s5, $0x0  }
0x1f: {  	s9 =	smul.u32 $0xF7A, s1;
	s8 =	simm.s32 @!p0 $0x1BF5;
	p2 =	por !p2, p0  }
0x20: {  	[sflag:s8] =	ssyncset.s32 @!p0 $0xFFFFF086;
	s6 =	sadd.s32 @!p0 s3, s7;
	s7 =	simm.s32 @!p0 $0x108  }
0x21: {  	s3 =	sadd.s32 s3, s9;
	s6 =	sadd.s32 @!p0 $0x88, s6;
	s7 =	simm.s32 @p2 $0x1082  }
0x22: {  	[simem:s7], [sflag:s8] =	dma.local @!p0 [hbm:s6], $0xF7A  }
0x23: {  	s9 =	sor.u32 $0xD0000000, s2;
	s6 =	simm.s32 $0x108;
	_ =	swait.ge @!p0 [sflag:s8], $0x0  }
0x24: {  	s3 =	sadd.s32 $0x88, s3;
	s6 =	simm.s32 @!p1 $0x1082;
	[sflag:s4] =	ssyncset.s32 $0xFFFFF086  }
0x25: {  	[simem:s6], [sflag:s4] =	dma.local [hbm:s3], $0xF7A  }
0x26: {  	[smem:$0x3F9F] =	sst s1;
	(tag) =	ssettag s2;
	_ =	strace s9  }
0x27: {  	s1 =	sld [smem:$0x3FAF]  }
0x28: {  	s2 =	sld [smem:$0x3FB0]  }
0x29: {  	s4 =	sld [smem:$0x3FB2]  }
0x2a: {  	p0 =	seq.s32 s5, $0x0;
	s5 =	sld [smem:$0x3FB3]  }
0x2b: {  	s6 =	sld [smem:$0x3FB4]  }
0x2c: {  	s7 =	sld [smem:$0x3FB5]  }
0x2d: {  	s3 =	simm.s32 $0x108;
	s8 =	sld [smem:$0x3FB6]  }
0x2e: {  	s3 =	simm.s32 @!p0 $0x1082;
	s9 =	sld [smem:$0x3FB7]  }
0x2f: {  	lr =	sadd.s32 s0, s3;
	s0 =	sld [smem:$0x3FAE]  }
0x30: {  	s3 =	sld [smem:$0x3FB1]  }
0x31: {  	[smem:$0x3FBA] =	sst s10  }
0x32: {  	s10 =	sld [smem:$0x3FB8];
	_ =	sdelay $0x3  }
0x33: {  	p0 =	seq.s32 s10, $0x1;
	s10 =	sld [smem:$0x3FBA];
	_ =	sdelay $0x3  }
0x34: {  	[smem:$0x3FBA] =	sst s10  }
0x35: {  	s10 =	sld [smem:$0x3FB9];
	_ =	sdelay $0x3  }
0x36: {  	p1 =	seq.s32 s10, $0x1;
	s10 =	sld [smem:$0x3FBA];
	_ =	sdelay $0x3  }
0x37: {  	[smem:$0x3FBA] =	sst s10  }
0x38: {  	s10 =	sld [smem:$0x3FBB]  }
0x39: {  	_ = 	snop;
	(pc) =	sbr.ind lr, $3  }
0x3a: {  	_ = 	snop  }
0x3b: {  	_ = 	snop  }
0x3c: {  	p2 =	seq.s32 s10, $0x1;
	s10 =	sld [smem:$0x3FBA]  }
0x3d: {  	_ =	shalt  }
0x3e: {  	_ =	shalt  }
0x3f: {  	_ =	shalt  }
0x40: {  	_ =	shalt  }
0x41: {  	_ =	shalt  }
0x42: {  	_ =	shalt  }
0x43: {  	_ =	shalt  }
0x44: {  	_ =	shalt  }
0x45: {  	_ =	shalt  }
0x46: {  	_ =	shalt  }
0x47: {  	_ =	shalt  }
0x48: {  	_ =	shalt  }
0x49: {  	_ =	shalt  }
0x4a: {  	_ =	shalt  }
0x4b: {  	_ =	shalt  }
0x4c: {  	_ =	shalt  }
0x4d: {  	_ =	shalt  }
0x4e: {  	_ =	shalt  }
0x4f: {  	_ =	shalt  }
0x50: {  	_ =	shalt  }
0x51: {  	_ =	shalt  }
0x52: {  	_ =	shalt  }
0x53: {  	_ =	shalt  }
0x54: {  	_ =	shalt  }
0x55: {  	_ =	shalt  }
0x56: {  	_ =	shalt  }
0x57: {  	_ =	shalt  }
0x58: {  	_ =	shalt  }
0x59: {  	_ =	shalt  }
0x5a: {  	_ =	shalt  }
0x5b: {  	_ =	shalt  }
0x5c: {  	_ =	shalt  }
0x5d: {  	_ =	shalt  }
0x5e: {  	_ =	shalt  }
0x5f: {  	_ =	shalt  }
0x60: {  	_ =	shalt  }
0x61: {  	_ =	shalt  }
0x62: {  	_ =	shalt  }
0x63: {  	_ =	shalt  }
0x64: {  	_ =	shalt  }
0x65: {  	_ =	shalt  }
0x66: {  	_ =	shalt  }
0x67: {  	_ =	shalt  }
0x68: {  	_ =	shalt  }
0x69: {  	_ =	shalt  }
0x6a: {  	_ =	shalt  }
0x6b: {  	_ =	shalt  }
0x6c: {  	_ =	shalt  }
0x6d: {  	_ =	shalt  }
0x6e: {  	_ =	shalt  }
0x6f: {  	_ =	shalt  }
0x70: {  	_ =	shalt  }
0x71: {  	_ =	shalt  }
0x72: {  	_ =	shalt  }
0x73: {  	_ =	shalt  }
0x74: {  	_ =	shalt  }
0x75: {  	_ =	shalt  }
0x76: {  	_ =	shalt  }
0x77: {  	_ =	shalt  }
0x78: {  	_ =	shalt  }
0x79: {  	_ =	shalt  }
0x7a: {  	_ =	shalt  }
0x7b: {  	_ =	shalt  }
0x7c: {  	_ =	shalt  }
0x7d: {  	_ =	shalt  }
0x7e: {  	_ =	shalt  }
0x7f: {  	_ =	shalt  }
0x80: {  	_ =	shalt  }
0x81: {  	_ =	shalt  }
0x82: {  	_ =	shalt  }
0x83: {  	_ =	shalt  }
0x84: {  	_ =	shalt  }
0x85: {  	_ =	shalt  }
0x86: {  	_ =	shalt  }
0x87: {  	_ =	shalt  }
.Lfunc_end0:
.L_simem_size_0:
called_computation_lowered:
.L_overlay_start_0:
0x88: {  	s2 =	sld [smem:$0x3FD9]  }
0x89: {  	s3 =	sld [smem:$0x3FFE];
	_ =	sdelay $0x1  }
0x8a: {  	s1 =	srdreg.scid  }
0x8b: {  	s0 =	sand.u32 $0x1, s1  }
0x8c: {  	s17 =	sshll.u32 s0, $0xA;
	s2 =	sadd.s32 s3, s2  }
0x8d: {  	s2 =	sadd.s32 s2, s17  }
0x8e: {  	[smem:$0x3FC6] =	sst s2  }
0x8f: {  	_ = 	snop  }
0x90: {  	s2 =	sld [smem:$0x3FD0];
	(tm) =	ssettm $0x1  }
0x91: {  	s18 =	sld [smem:$0x3FFB];
	_ =	sdelay $0x3  }
0x92: {  	_ =	strace s18  }
0x93: {  	s3 =	sld [smem:$0x3FFC];
	_ =	sdelay $0x3  }
0x94: {  	_ =	strace s3  }
0x95: {  	s3 =	sld [smem:$0x3FFD];
	_ =	sdelay $0x3  }
0x96: {  	_ =	strace s3  }
0x97: {  	_ =	strace $0x8FFFFFFF  }
0x98: {  	s19 =	sld [smem:$0x3FDB];
	_ =	sdelay $0x1  }
0x99: {  	s4 =	simm.s32 $_scs_section_size  }
0x9a: {  	s5 =	simm.s32 $_size__tile_overlayer_lowered;
	s6 =	simm.s32 $_tile_overlayer_lowered  }
0x9b: {  	s22 =	simm.s32 $0x1BFF;
	s21 =	sshll.u32 s6, $0x1;
	s3 =	sadd.s32 s4, s19  }
0x9c: {  	s7 =	simm.s32 $0x0;
	s20 =	sshll.u32 s5, $0x1;
	s5 =	sadd.s32 s21, s3  }
0x9d: {  	[timem:s7], [sflag:s22] =	dma.local [hbm:s5], s20  }
0x9e: {  	_ =	swait.ge [sflag:s22], s20  }
0x9f: {  	s4 =	ssub.s32 $0x0, s20;
	[sflag:s22] =	ssyncset.done $0x0  }
0xa0: {  	[sflag:s22] =	ssyncadd.s32 s4;
	_ =	sdelay $0x1  }
0xa1: {  	s23 =	simm.s32 $0x1B8B  }
0xa2: {  	_ =	swait.ge [sflag:s23], $0x1  }
0xa3: {  	[sflag:s23] =	ssyncset.done $0x0  }
0xa4: {  	s25 =	simm.s32 $0x1B8E;
	s24 =	sld [smem:$0x3FFE];
	[sflag:s23] =	ssyncadd.s32 $0xFFFFFFFF  }
0xa5: {  	s26 =	simm.s32 $execute0_lowered;
	[smem:$0x3FD2] =	sst s25  }
0xa6: {  	s5 =	sshll.u32 s26, $0x1;
	_ =	strace $0x80000046;
	[dreg:$0x1] =	wrdreg $0xFFFFFFFF  }
0xa7: {  	s28 =	simm.s32 $_size_execute0_lowered;
	s3 =	sadd.s32 s3, s5;
	[dreg:$0x0] =	wrdreg $0x0  }
0xa8: {  	s5 =	sshll.u32 s28, $0x1;
	[dreg:$0x2] =	wrdreg s3  }
0xa9: {  	[dreg:$0x3] =	wrdreg s5  }
0xaa: {  	[dreg:$0x4] =	wrdreg $0xC0  }
0xab: {  	_ =	task [dreg:s7], $0x5FFFF  }
0xac: {  	[dreg:$0x1] =	wrdreg $0xFFFFFFFF  }
0xad: {  	[dreg:$0x0] =	wrdreg $0x60  }
0xae: {  	[dreg:$0x2] =	wrdreg s24  }
0xaf: {  	[dreg:$0x3] =	wrdreg s2  }
0xb0: {  	[dreg:$0x4] =	wrdreg $0x9  }
0xb1: {  	_ =	task.clear_ibuf [dreg:s7], $0x5FFFF;
	_ =	strace $0x90000046  }
0xb2: {  	s29 =	simm.s32 $0x9;
	_ =	strace $0x80000048  }
0xb3: {  	_ =	swait.ge [sflag:s29], $0x1  }
0xb4: {  	[sflag:s29] =	ssyncadd.s32 $0xFFFFFFFF  }
0xb5: {  	_ =	strace $0x90000048  }
0xb6: {  	_ =	sfence  }
0xb7: {  	s30 =	sld [smem:$0x0];
	_ =	sdelay $0x2  }
0xb8: {  	s31 =	sshll.u32 s1, $0xD;
	s1 =	sshrl.u32 s1, $0x2  }
0xb9: {  	s3 =	sand.u32 $0x4000, s31;
	s1 =	sadd.s32 s1, s30  }
0xba: {  	s0 =	sor.u32 s3, s0;
	s1 =	sshll.u32 s1, $0x11  }
0xbb: {  	s0 =	sor.u32 s1, s0  }
0xbc: {  	s0 =	sadd.s32 $0x8F2B, s0  }
0xbd: {  	[sflag:s0] =	ssyncadd.remote.s32 $0x1  }
0xbe: {  	_ =	sfence.sel $0xFFFF  }
0xbf: {  	[dreg:$0x0] =	wrdreg $0xFFFFFFFF;
	(pc) =	sbr.abs _section_cstart, $3  }
0xc0: {  	[dreg:$0x1] =	wrdreg $0xFFFFFFFF  }
0xc1: {  	_ =	task.clear_ibuf [dreg:s7], $0x2FFFF;
	_ =	strace $0x9FFFFFFF  }
0xc2: {  	(tm) =	ssettm $0x7FFFFFFF  }
0xc3: {  	_ =	shalt  }
tec
execute0_lowered:
.L_overlay_start_1:
0x0: {  	(tag) =	ssettag $0x1  }
0x1: {  	s0 =	rddreg [dreg:$0x0]  }
0x2: {  	s1 =	srdreg.scid;
	s10 =	stileid.u32  }
0x3: {  	s5 =	rddreg [dreg:$0x1];
	s2 =	simm.s32 $0x0;
	s28 =	simm.s32 $0xA400  }
0x4: {  	s29 =	simm.s32 $0x300;
	s30 =	simm.s32 $0xC400;
	s16 =	smul.u32 $0xC800, s10  }
0x5: {  	s31 =	simm.s32 $0x380;
	s1 =	sand.u32 $0x1, s1;
	s21 =	smul.u32 $0x320000, s10  }
0x6: {  	s3 =	sshll.u32 s10, $0x1;
	[smem:$0x7FF] =	sst s2;
	s18 =	smul.u32 $0x6400, s1  }
0x7: {  	s4 =	sor.u32 s1, s3;
	s7 =	ssub.s32 $0x2, s1;
	s1 =	smul.u32 $0x190000, s1  }
0x8: {  	_ =	strace $0x80000047;
	s3 =	sadd.s32 $0x400, s0;
	s6 =	smul.u32 $0x6400, s4  }
0x9: {  	s8 =	sshrl.u32 s7, $0x1;
	s9 =	smul.u32 $0x190000, s4;
	s4 =	sadd.s32 $0x7A4400, s0  }
0xa: {  	s13 =	ssub.s32 s7, s8;
	s1 =	sadd.s32 s1, s21;
	s21 =	simm.s32 $0x4400  }
0xb: {  	s6 =	sshrl.u32 s6, $0x3;
	s0 =	smax.u32 s13, $0x1;
	s15 =	sshrl.u32 s9, $0x3  }
0xc: {  	s7 =	sadd.s32 $0x18000, s1;
	s1 =	sadd.s32 $0x10000, s1;
	s14 =	sadd.s32 s5, s6  }
0xd: {  	[dreg:$0x6] =	wrdreg s0;
	s9 =	sadd.s32 s4, s15;
	s0 =	sadd.s32 s18, s16  }
0xe: {  	s25 =	sshrl.u32 s7, $0x3;
	[dreg:$0xe] =	wrdreg s1;
	s16 =	simm.s32 $0x5  }
0xf: {  	s18 =	simm.s32 $0x400;
	s1 =	simm.s32 $0xE400;
	[dreg:$0x5] =	wrdreg s14  }
0x10: {  	s7 =	simm.s32 $0x2;
	s17 =	sadd.s32 $0x40, s14;
	[dreg:$0x8] =	wrdreg s9  }
0x11: {  	s19 =	sadd.s32 $0x80, s14;
	s20 =	sadd.s32 $0x1000, s9;
	[dreg:$0x7] =	wrdreg s17  }
0x12: {  	s8 =	sadd.s32 $0xC40, s14;
	s22 =	sadd.s32 $0x30000, s9;
	[dreg:$0x9] =	wrdreg s19  }
0x13: {  	s23 =	sadd.s32 $0x31000, s9;
	s24 =	sadd.s32 $0x800, s0;
	[dreg:$0xa] =	wrdreg s20  }
0x14: {  	s0 =	sadd.s32 $0x600, s0;
	s26 =	sadd.s32 s25, s4;
	[dreg:$0xb] =	wrdreg s8  }
0x15: {  	s25 =	simm.s32 $0x8400;
	s9 =	simm.s32 $0x4;
	[dreg:$0xc] =	wrdreg s22  }
0x16: {  	[dreg:$0xd] =	wrdreg s23;
	s6 =	sshrl.u32 s24, $0x3;
	s0 =	sshrl.u32 s0, $0x3  }
0x17: {  	[dreg:$0xf] =	wrdreg s26;
	s17 =	simm.s32 $0x80;
	s19 =	simm.s32 $0x2400  }
0x18: {  	s20 =	simm.s32 $0x100;
	s22 =	simm.s32 $0x180;
	s23 =	simm.s32 $0x6400  }
0x19: {  	s24 =	simm.s32 $0x200;
	s26 =	simm.s32 $0x280;
	s6 =	sadd.s32 s6, s5  }
0x1a: {  	s8 =	simm.s32 $0x0;
	s0 =	sadd.s32 s0, s5;
	[dreg:$0x3] =	wrdreg s6  }
0x1b: {  	[dreg:$0x4] =	wrdreg s0;
	s0 =	simm.s32 $0x1;
	s6 =	simm.s32 $0x3  }
.LBB2_1:
0x1c: {  	[dreg:$0x10] =	wrdreg s8  }
0x1d: {  	s5 =	rddreg [dreg:$0x5]  }
0x1e: {  	[tilespmem:s2], [sflag:$0x5] =	stream.linear.gather [hbm4b:s5+s2], $0x200, $0x38;
	[tilespmem:$0x10400] =	vst v63  }
0x1f: {  	_ =	swait.ge [sflag:s16], $0x200  }
0x20: {  	[sflag:s16] =	ssyncset.done $0x0  }
0x21: {  	[sflag:s16] =	ssyncadd.s32 $0xFFFFFE00  }
0x22: {  	[tilespmem:s18], [sflag:$0x1] =	stream.indirect.gather [hbm4b:s3+s17], $0x40, s2, s17, $0xb8;
	[tilespmem:$0x10400] =	vst v63  }
0x23: {  	_ = 	snop  }
0x24: {  	[tilespmem:s19], [sflag:$0x1] =	stream.indirect.gather [hbm4b:s3+s17], $0x40, s17, s17, $0xb8;
	[tilespmem:$0x10400] =	vst v63  }
0x25: {  	_ = 	snop  }
0x26: {  	[tilespmem:s21], [sflag:$0x1] =	stream.indirect.gather [hbm4b:s3+s17], $0x40, s20, s17, $0xb8;
	[tilespmem:$0x10400] =	vst v63  }
0x27: {  	_ = 	snop  }
0x28: {  	[tilespmem:s23], [sflag:$0x1] =	stream.indirect.gather [hbm4b:s3+s17], $0x40, s22, s17, $0xb8;
	[tilespmem:$0x10400] =	vst v63  }
0x29: {  	s15 =	rddreg [dreg:$0x7]  }
0x2a: {  	[tilespmem:s24], [sflag:$0x5] =	stream.linear.gather [hbm4b:s15+s2], $0x200, $0x38;
	[tilespmem:$0x10400] =	vst v63  }
0x2b: {  	_ =	swait.ge [sflag:s16], $0x200  }
0x2c: {  	[sflag:s16] =	ssyncset.done $0x0  }
0x2d: {  	[sflag:s16] =	ssyncadd.s32 $0xFFFFFE00  }
0x2e: {  	[tilespmem:s25], [sflag:$0x2] =	stream.indirect.gather [hbm4b:s3+s17], $0x40, s24, s17, $0xb8;
	[tilespmem:$0x10400] =	vst v63  }
0x2f: {  	_ = 	snop  }
0x30: {  	[tilespmem:s28], [sflag:$0x2] =	stream.indirect.gather [hbm4b:s3+s17], $0x40, s26, s17, $0xb8;
	[tilespmem:$0x10400] =	vst v63  }
0x31: {  	_ = 	snop  }
0x32: {  	[tilespmem:s30], [sflag:$0x2] =	stream.indirect.gather [hbm4b:s3+s17], $0x40, s29, s17, $0xb8;
	[tilespmem:$0x10400] =	vst v63  }
0x33: {  	_ = 	snop  }
0x34: {  	[tilespmem:s1], [sflag:$0x2] =	stream.indirect.gather [hbm4b:s3+s17], $0x40, s31, s17, $0xb8;
	[tilespmem:$0x10400] =	vst v63  }
0x35: {  	_ =	swait.ge [sflag:s0], $0x8000  }
0x36: {  	[sflag:s0] =	ssyncset.done $0x0  }
0x37: {  	s8 =	rddreg [dreg:$0x8];
	[sflag:s0] =	ssyncadd.s32 $0xFFFF8000  }
0x38: {  	[hbm4b:s8+s2] =	stream.linear.scatter [tilespmem:s18], [sflag:$0x3], $0x8000, $0x38;
	[tilespmem:$0x10400] =	vst v63  }
0x39: {  	s10 =	rddreg [dreg:$0x9]  }
0x3a: {  	[tilespmem:s2], [sflag:$0x5] =	stream.linear.gather [hbm4b:s10+s2], $0x200, $0x38;
	[tilespmem:$0x10400] =	vst v63  }
0x3b: {  	_ =	swait.ge [sflag:s16], $0x200  }
0x3c: {  	[sflag:s16] =	ssyncset.done $0x0  }
0x3d: {  	[sflag:s16] =	ssyncadd.s32 $0xFFFFFE00  }
0x3e: {  	_ =	swait.ge [sflag:s6], $0x8000  }
0x3f: {  	[sflag:s6] =	ssyncset.done $0x0  }
0x40: {  	[sflag:s6] =	ssyncadd.s32 $0xFFFF8000  }
0x41: {  	[tilespmem:s18], [sflag:$0x1] =	stream.indirect.gather [hbm4b:s3+s17], $0x40, s2, s17, $0xb8;
	[tilespmem:$0x10400] =	vst v63  }
0x42: {  	_ = 	snop  }
0x43: {  	[tilespmem:s19], [sflag:$0x1] =	stream.indirect.gather [hbm4b:s3+s17], $0x40, s17, s17, $0xb8;
	[tilespmem:$0x10400] =	vst v63  }
0x44: {  	_ = 	snop  }
0x45: {  	[tilespmem:s21], [sflag:$0x1] =	stream.indirect.gather [hbm4b:s3+s17], $0x40, s20, s17, $0xb8;
	[tilespmem:$0x10400] =	vst v63  }
0x46: {  	_ = 	snop  }
0x47: {  	[tilespmem:s23], [sflag:$0x1] =	stream.indirect.gather [hbm4b:s3+s17], $0x40, s22, s17, $0xb8;
	[tilespmem:$0x10400] =	vst v63  }
0x48: {  	_ =	swait.ge [sflag:s7], $0x8000  }
0x49: {  	[sflag:s7] =	ssyncset.done $0x0;
	s11 =	rddreg [dreg:$0x4]  }
0x4a: {  	s12 =	rddreg [dreg:$0xa];
	[sflag:s7] =	ssyncadd.s32 $0xFFFF8000  }
0x4b: {  	[hbm4b:s12+s2] =	stream.linear.scatter [tilespmem:s25], [sflag:$0x4], $0x8000, $0x38;
	[tilespmem:$0x10400] =	vst v63  }
0x4c: {  	s5 =	sadd.s32 $0x0, s11  }
0x4d: {  	[tilespmem:s24], [sflag:$0x5] =	stream.linear.gather [hbm4b:s5+s2], $0x200, $0x38;
	[tilespmem:$0x10400] =	vst v63  }
0x4e: {  	_ =	swait.ge [sflag:s16], $0x200  }
0x4f: {  	[sflag:s16] =	ssyncset.done $0x0  }
0x50: {  	[sflag:s16] =	ssyncadd.s32 $0xFFFFFE00  }
0x51: {  	_ =	swait.ge [sflag:s9], $0x8000  }
0x52: {  	[sflag:s9] =	ssyncset.done $0x0  }
0x53: {  	[sflag:s9] =	ssyncadd.s32 $0xFFFF8000  }
0x54: {  	[tilespmem:s25], [sflag:$0x2] =	stream.indirect.gather [hbm4b:s3+s17], $0x40, s24, s17, $0xb8;
	[tilespmem:$0x10400] =	vst v63  }
0x55: {  	_ = 	snop  }
0x56: {  	[tilespmem:s28], [sflag:$0x2] =	stream.indirect.gather [hbm4b:s3+s17], $0x40, s26, s17, $0xb8;
	[tilespmem:$0x10400] =	vst v63  }
0x57: {  	_ = 	snop  }
0x58: {  	[tilespmem:s30], [sflag:$0x2] =	stream.indirect.gather [hbm4b:s3+s17], $0x40, s29, s17, $0xb8;
	[tilespmem:$0x10400] =	vst v63  }
0x59: {  	_ = 	snop  }
0x5a: {  	[tilespmem:s1], [sflag:$0x2] =	stream.indirect.gather [hbm4b:s3+s17], $0x40, s31, s17, $0xb8;
	[tilespmem:$0x10400] =	vst v63  }
0x5b: {  	_ =	swait.ge [sflag:s0], $0x8000  }
0x5c: {  	s13 =	rddreg [dreg:$0xe]  }
0x5d: {  	[sflag:s0] =	ssyncset.done $0x0;
	s14 =	sshrl.u32 s13, $0x3  }
0x5e: {  	s11 =	rddreg [dreg:$0x3];
	[sflag:s0] =	ssyncadd.s32 $0xFFFF8000;
	s5 =	sadd.s32 s4, s14  }
0x5f: {  	[hbm4b:s5+s2] =	stream.linear.scatter [tilespmem:s18], [sflag:$0x3], $0x8000, $0x38;
	[tilespmem:$0x10400] =	vst v63  }
0x60: {  	s15 =	sadd.s32 $0x0, s11  }
0x61: {  	[tilespmem:s2], [sflag:$0x5] =	stream.linear.gather [hbm4b:s15+s2], $0x200, $0x38;
	[tilespmem:$0x10400] =	vst v63  }
0x62: {  	_ =	swait.ge [sflag:s16], $0x200  }
0x63: {  	[sflag:s16] =	ssyncset.done $0x0  }
0x64: {  	[sflag:s16] =	ssyncadd.s32 $0xFFFFFE00  }
0x65: {  	_ =	swait.ge [sflag:s6], $0x8000  }
0x66: {  	[sflag:s6] =	ssyncset.done $0x0  }
0x67: {  	[sflag:s6] =	ssyncadd.s32 $0xFFFF8000  }
0x68: {  	[tilespmem:s18], [sflag:$0x1] =	stream.indirect.gather [hbm4b:s3+s17], $0x40, s2, s17, $0xb8;
	[tilespmem:$0x10400] =	vst v63  }
0x69: {  	_ = 	snop  }
0x6a: {  	[tilespmem:s19], [sflag:$0x1] =	stream.indirect.gather [hbm4b:s3+s17], $0x40, s17, s17, $0xb8;
	[tilespmem:$0x10400] =	vst v63  }
0x6b: {  	_ = 	snop  }
0x6c: {  	[tilespmem:s21], [sflag:$0x1] =	stream.indirect.gather [hbm4b:s3+s17], $0x40, s20, s17, $0xb8;
	[tilespmem:$0x10400] =	vst v63  }
0x6d: {  	_ = 	snop  }
0x6e: {  	[tilespmem:s23], [sflag:$0x1] =	stream.indirect.gather [hbm4b:s3+s17], $0x40, s22, s17, $0xb8;
	[tilespmem:$0x10400] =	vst v63  }
0x6f: {  	s12 =	simm.s32 $0x80;
	s13 =	sadd.s32 $0x10000, s13;
	_ =	swait.ge [sflag:s7], $0x8000  }
0x70: {  	s5 =	simm.s32 $0x100;
	[sflag:s7] =	ssyncset.done $0x0;
	s15 =	rddreg [dreg:$0xf]  }
0x71: {  	s14 =	rddreg [dreg:$0x4];
	[sflag:s7] =	ssyncadd.s32 $0xFFFF8000;
	s11 =	sadd.s32 $0x2000, s15  }
.LBB2_2:
0x72: {  	[hbm4b:s15+s2] =	stream.linear.scatter [tilespmem:s25], [sflag:$0x4], $0x8000, $0x38;
	[tilespmem:$0x10400] =	vst v63  }
0x73: {  	s14 =	sadd.s32 s12, s14  }
0x74: {  	[tilespmem:s24], [sflag:$0x5] =	stream.linear.gather [hbm4b:s14+s2], $0x200, $0x38;
	[tilespmem:$0x10400] =	vst v63  }
0x75: {  	_ =	swait.ge [sflag:s16], $0x200  }
0x76: {  	[sflag:s16] =	ssyncset.done $0x0  }
0x77: {  	[sflag:s16] =	ssyncadd.s32 $0xFFFFFE00  }
0x78: {  	_ =	swait.ge [sflag:s9], $0x8000  }
0x79: {  	[sflag:s9] =	ssyncset.done $0x0  }
0x7a: {  	[sflag:s9] =	ssyncadd.s32 $0xFFFF8000  }
0x7b: {  	[tilespmem:s25], [sflag:$0x2] =	stream.indirect.gather [hbm4b:s3+s17], $0x40, s24, s17, $0xb8;
	[tilespmem:$0x10400] =	vst v63  }
0x7c: {  	_ = 	snop  }
0x7d: {  	[tilespmem:s28], [sflag:$0x2] =	stream.indirect.gather [hbm4b:s3+s17], $0x40, s26, s17, $0xb8;
	[tilespmem:$0x10400] =	vst v63  }
0x7e: {  	_ = 	snop  }
0x7f: {  	[tilespmem:s30], [sflag:$0x2] =	stream.indirect.gather [hbm4b:s3+s17], $0x40, s29, s17, $0xb8;
	[tilespmem:$0x10400] =	vst v63  }
0x80: {  	_ = 	snop  }
0x81: {  	[tilespmem:s1], [sflag:$0x2] =	stream.indirect.gather [hbm4b:s3+s17], $0x40, s31, s17, $0xb8;
	[tilespmem:$0x10400] =	vst v63  }
0x82: {  	_ =	swait.ge [sflag:s0], $0x8000  }
0x83: {  	s14 =	sshrl.u32 s13, $0x3;
	[sflag:s0] =	ssyncset.done $0x0  }
0x84: {  	s14 =	sadd.s32 s4, s14;
	s10 =	rddreg [dreg:$0x3];
	[sflag:s0] =	ssyncadd.s32 $0xFFFF8000  }
0x85: {  	[hbm4b:s14+s2] =	stream.linear.scatter [tilespmem:s18], [sflag:$0x3], $0x8000, $0x38;
	[tilespmem:$0x10400] =	vst v63  }
0x86: {  	s10 =	sadd.s32 s12, s10  }
0x87: {  	[tilespmem:s2], [sflag:$0x5] =	stream.linear.gather [hbm4b:s10+s2], $0x200, $0x38;
	[tilespmem:$0x10400] =	vst v63  }
0x88: {  	_ =	swait.ge [sflag:s16], $0x200  }
0x89: {  	[sflag:s16] =	ssyncset.done $0x0  }
0x8a: {  	[sflag:s16] =	ssyncadd.s32 $0xFFFFFE00  }
0x8b: {  	_ =	swait.ge [sflag:s6], $0x8000  }
0x8c: {  	[sflag:s6] =	ssyncset.done $0x0  }
0x8d: {  	[sflag:s6] =	ssyncadd.s32 $0xFFFF8000  }
0x8e: {  	[tilespmem:s18], [sflag:$0x1] =	stream.indirect.gather [hbm4b:s3+s17], $0x40, s2, s17, $0xb8;
	[tilespmem:$0x10400] =	vst v63  }
0x8f: {  	_ = 	snop  }
0x90: {  	[tilespmem:s19], [sflag:$0x1] =	stream.indirect.gather [hbm4b:s3+s17], $0x40, s17, s17, $0xb8;
	[tilespmem:$0x10400] =	vst v63  }
0x91: {  	p0 =	sne.s32 s5, $0xB00  }
0x92: {  	[tilespmem:s21], [sflag:$0x1] =	stream.indirect.gather [hbm4b:s3+s17], $0x40, s20, s17, $0xb8;
	[tilespmem:$0x10400] =	vst v63  }
.Ltmp0:
0x93: {  	s8 =	smov.u32 s5;
	(pc) =	sbr.rel @p0 .LBB2_2-.Ltmp0, $4  }
0x94: {  	[tilespmem:s23], [sflag:$0x1] =	stream.indirect.gather [hbm4b:s3+s17], $0x40, s22, s17, $0xb8;
	[tilespmem:$0x10400] =	vst v63  }
0x95: {  	s15 =	smov.u32 s11;
	s5 =	sadd.s32 $0x80, s5;
	_ =	swait.ge [sflag:s7], $0x8000  }
0x96: {  	s11 =	sadd.s32 $0x2000, s11;
	s13 =	sadd.s32 $0x10000, s13;
	[sflag:s7] =	ssyncset.done $0x0  }
0x97: {  	s12 =	smov.u32 s8;
	s14 =	rddreg [dreg:$0x4];
	[sflag:s7] =	ssyncadd.s32 $0xFFFF8000  }
0x98: {  	[hbm4b:s15+s2] =	stream.linear.scatter [tilespmem:s25], [sflag:$0x4], $0x8000, $0x38;
	[tilespmem:$0x10400] =	vst v63  }
0x99: {  	s5 =	sadd.s32 s12, s14  }
0x9a: {  	[tilespmem:s24], [sflag:$0x5] =	stream.linear.gather [hbm4b:s5+s2], $0x200, $0x38;
	[tilespmem:$0x10400] =	vst v63  }
0x9b: {  	_ =	swait.ge [sflag:s16], $0x200  }
0x9c: {  	[sflag:s16] =	ssyncset.done $0x0  }
0x9d: {  	[sflag:s16] =	ssyncadd.s32 $0xFFFFFE00  }
0x9e: {  	_ =	swait.ge [sflag:s9], $0x8000  }
0x9f: {  	[sflag:s9] =	ssyncset.done $0x0  }
0xa0: {  	[sflag:s9] =	ssyncadd.s32 $0xFFFF8000  }
0xa1: {  	[tilespmem:s25], [sflag:$0x2] =	stream.indirect.gather [hbm4b:s3+s17], $0x40, s24, s17, $0xb8;
	[tilespmem:$0x10400] =	vst v63  }
0xa2: {  	_ = 	snop  }
0xa3: {  	[tilespmem:s28], [sflag:$0x2] =	stream.indirect.gather [hbm4b:s3+s17], $0x40, s26, s17, $0xb8;
	[tilespmem:$0x10400] =	vst v63  }
0xa4: {  	_ = 	snop  }
0xa5: {  	[tilespmem:s30], [sflag:$0x2] =	stream.indirect.gather [hbm4b:s3+s17], $0x40, s29, s17, $0xb8;
	[tilespmem:$0x10400] =	vst v63  }
0xa6: {  	_ = 	snop  }
0xa7: {  	[tilespmem:s1], [sflag:$0x2] =	stream.indirect.gather [hbm4b:s3+s17], $0x40, s31, s17, $0xb8;
	[tilespmem:$0x10400] =	vst v63  }
0xa8: {  	_ =	swait.ge [sflag:s0], $0x8000  }
0xa9: {  	s15 =	sshrl.u32 s13, $0x3;
	[sflag:s0] =	ssyncset.done $0x0  }
0xaa: {  	s5 =	sadd.s32 s4, s15;
	s8 =	rddreg [dreg:$0x3];
	[sflag:s0] =	ssyncadd.s32 $0xFFFF8000  }
0xab: {  	[hbm4b:s5+s2] =	stream.linear.scatter [tilespmem:s18], [sflag:$0x3], $0x8000, $0x38;
	[tilespmem:$0x10400] =	vst v63  }
0xac: {  	s10 =	sadd.s32 s12, s8  }
0xad: {  	[tilespmem:s2], [sflag:$0x5] =	stream.linear.gather [hbm4b:s10+s2], $0x200, $0x38;
	[tilespmem:$0x10400] =	vst v63  }
0xae: {  	_ =	swait.ge [sflag:s16], $0x200  }
0xaf: {  	[sflag:s16] =	ssyncset.done $0x0  }
0xb0: {  	[sflag:s16] =	ssyncadd.s32 $0xFFFFFE00  }
0xb1: {  	_ =	swait.ge [sflag:s6], $0x8000  }
0xb2: {  	[sflag:s6] =	ssyncset.done $0x0  }
0xb3: {  	[sflag:s6] =	ssyncadd.s32 $0xFFFF8000  }
0xb4: {  	[tilespmem:s18], [sflag:$0x1] =	stream.indirect.gather [hbm4b:s3+s17], $0x40, s2, s17, $0xb8;
	[tilespmem:$0x10400] =	vst v63  }
0xb5: {  	_ = 	snop  }
0xb6: {  	[tilespmem:s19], [sflag:$0x1] =	stream.indirect.gather [hbm4b:s3+s17], $0x40, s17, s17, $0xb8;
	[tilespmem:$0x10400] =	vst v63  }
0xb7: {  	_ = 	snop  }
0xb8: {  	[tilespmem:s21], [sflag:$0x1] =	stream.indirect.gather [hbm4b:s3+s17], $0x40, s20, s17, $0xb8;
	[tilespmem:$0x10400] =	vst v63  }
0xb9: {  	_ = 	snop  }
0xba: {  	[tilespmem:s23], [sflag:$0x1] =	stream.indirect.gather [hbm4b:s3+s17], $0x40, s22, s17, $0xb8;
	[tilespmem:$0x10400] =	vst v63  }
0xbb: {  	_ =	swait.ge [sflag:s7], $0x8000  }
0xbc: {  	[sflag:s7] =	ssyncset.done $0x0  }
0xbd: {  	[sflag:s7] =	ssyncadd.s32 $0xFFFF8000  }
0xbe: {  	[hbm4b:s11+s2] =	stream.linear.scatter [tilespmem:s25], [sflag:$0x4], $0x8000, $0x38;
	[tilespmem:$0x10400] =	vst v63  }
0xbf: {  	s11 =	rddreg [dreg:$0xb]  }
0xc0: {  	[tilespmem:s24], [sflag:$0x5] =	stream.linear.gather [hbm4b:s11+s2], $0x200, $0x38;
	[tilespmem:$0x10400] =	vst v63  }
0xc1: {  	_ =	swait.ge [sflag:s16], $0x200  }
0xc2: {  	[sflag:s16] =	ssyncset.done $0x0  }
0xc3: {  	[sflag:s16] =	ssyncadd.s32 $0xFFFFFE00  }
0xc4: {  	_ =	swait.ge [sflag:s9], $0x8000  }
0xc5: {  	[sflag:s9] =	ssyncset.done $0x0  }
0xc6: {  	[sflag:s9] =	ssyncadd.s32 $0xFFFF8000  }
0xc7: {  	[tilespmem:s25], [sflag:$0x2] =	stream.indirect.gather [hbm4b:s3+s17], $0x40, s24, s17, $0xb8;
	[tilespmem:$0x10400] =	vst v63  }
0xc8: {  	_ = 	snop  }
0xc9: {  	[tilespmem:s28], [sflag:$0x2] =	stream.indirect.gather [hbm4b:s3+s17], $0x40, s26, s17, $0xb8;
	[tilespmem:$0x10400] =	vst v63  }
0xca: {  	_ = 	snop  }
0xcb: {  	[tilespmem:s30], [sflag:$0x2] =	stream.indirect.gather [hbm4b:s3+s17], $0x40, s29, s17, $0xb8;
	[tilespmem:$0x10400] =	vst v63  }
0xcc: {  	_ = 	snop  }
0xcd: {  	[tilespmem:s1], [sflag:$0x2] =	stream.indirect.gather [hbm4b:s3+s17], $0x40, s31, s17, $0xb8;
	[tilespmem:$0x10400] =	vst v63  }
0xce: {  	_ =	swait.ge [sflag:s0], $0x8000  }
0xcf: {  	[sflag:s0] =	ssyncset.done $0x0  }
0xd0: {  	s12 =	rddreg [dreg:$0xc];
	[sflag:s0] =	ssyncadd.s32 $0xFFFF8000  }
0xd1: {  	[hbm4b:s12+s2] =	stream.linear.scatter [tilespmem:s18], [sflag:$0x3], $0x8000, $0x38;
	[tilespmem:$0x10400] =	vst v63  }
0xd2: {  	_ =	swait.ge [sflag:s7], $0x8000  }
0xd3: {  	[sflag:s7] =	ssyncset.done $0x0  }
0xd4: {  	s13 =	rddreg [dreg:$0xd];
	[sflag:s7] =	ssyncadd.s32 $0xFFFF8000  }
0xd5: {  	[hbm4b:s13+s2] =	stream.linear.scatter [tilespmem:s25], [sflag:$0x4], $0x8000, $0x38;
	[tilespmem:$0x10400] =	vst v63  }
0xd6: {  	_ =	swait.ge [sflag:s6], $0x8000  }
0xd7: {  	[sflag:s6] =	ssyncset.done $0x0  }
0xd8: {  	[sflag:s6] =	ssyncadd.s32 $0xFFFF8000  }
0xd9: {  	_ =	swait.ge [sflag:s9], $0x8000  }
0xda: {  	s14 =	rddreg [dreg:$0x10]  }
0xdb: {  	s15 =	rddreg [dreg:$0x6];
	s8 =	sadd.s32 $0x1, s14  }
0xdc: {  	p0 =	sne.s32 s8, s15  }
.Ltmp1:
0xdd: {  	_ = 	snop;
	(pc) =	sbr.rel @p0 .LBB2_1-.Ltmp1, $3  }
0xde: {  	_ =	sdelay $0x1  }
0xdf: {  	[sflag:s9] =	ssyncset.done $0x0  }
0xe0: {  	[sflag:s9] =	ssyncadd.s32 $0xFFFF8000  }
0xe1: {  	_ =	sfence.sel $0x180000  }
0xe2: {  	[bflag:$0x0] =	sbarrier.arrive $0xFFFF  }
0xe3: {  	_ =	strace $0x90000047  }
0xe4: {  	s0 =	stileid.u32;
	[bflag:$0x2] =	sbarrier.arrive $0xFFFF  }
0xe5: {  	p0 =	sne.s32 s0, $0x0;
	s0 =	rddreg [dreg:$0x2]  }
0xe6: {  	s0 =	sadd.s32 @!p0 $0x100000, s0  }
0xe7: {  	[sflag:s0] =	ssyncadd.tile.s32 @!p0 $0x1;
	_ =	shalt  }
.Lfunc_end2:
_tile_overlayer_lowered:
.L_overlay_start_2:
0xe8: {  	(tag) =	ssettag $0x2  }
0xe9: {  	s0 =	rddreg [dreg:$0x0];
	s2 =	stileid.u32  }
0xea: {  	s1 =	rddreg [dreg:$0x1];
	p0 =	sne.s32 s2, $0x0  }
0xeb: {  	s3 =	rddreg [dreg:$0x2];
	[bflag:$0x3] =	sbarrier.arrive $0xFFFF;
	s2 =	simm.s32 @!p0 $0x1C05  }
0xec: {  	[timem:s3], [sflag:s2] =	dma.local @!p0 [hbm:s0], s1  }
0xed: {  	s0 =	simm.s32 @!p0 $0x5  }
0xee: {  	_ =	swait.ge @!p0 [sflag:s0], s1  }
0xef: {  	s1 =	ssub.s32 @!p0 $0x0, s1;
	[sflag:s0] =	ssyncset.done @!p0 $0x0  }
0xf0: {  	[sflag:s0] =	ssyncadd.s32 @!p0 s1  }
0xf1: {  	[bflag:$0x3] =	sbarrier.arrive $0xFFFF  }
0xf2: {  	_ =	shalt  }

</sc_bundles>
